<compile_context>
chip_gen: v7x
topology: tpu7x:2x2x1
jax: 0.10.2.dev20260603
libtpu: 0.0.44.dev20260713+nightly
codegen_flags: <defaults>
</compile_context>

<pallas_src>
import functools

import jax
import jax.numpy as jnp
from jax import lax
from jax.experimental import pallas as pl
from jax.experimental.pallas import tpu as pltpu
from jax.experimental.pallas import tpu_sc as plsc

N = 10000
F = 128
G = 64
NPAD = 10112
NE = 320000
CHUNK = 128
NCORE = 2
NSUB = 16
NW = NCORE * NSUB
NCHUNK = 80
EPT = NCHUNK * CHUNK
NE_PAD = NW * EPT
ROWS_PER_TILE = NPAD // NSUB
HCHUNK = NCHUNK // 2

NC0 = 128
NC1 = 32
HNC = NC0 // 2
TOTCH = NSUB * (NC0 + NC1)
TOTCH_PAD = TOTCH + 32


def _fence_barrier(nanos):
    plsc.subcore_barrier()
    pl.delay(nanos)
    plsc.subcore_barrier()


def _deg_body(dst_hbm, zeros_hbm, ones_hbm, out_hbm, dstv, ones_v, acc, sem):
    cid = lax.axis_index("c")
    sid = lax.axis_index("s")
    wid = sid * NCORE + cid
    row0 = sid * ROWS_PER_TILE

    pltpu.async_copy(
        zeros_hbm.at[pl.ds(row0, ROWS_PER_TILE)],
        acc.at[pl.ds(row0, ROWS_PER_TILE)],
        sem,
    ).wait()
    pltpu.sync_copy(ones_hbm, ones_v)
    pltpu.sync_copy(dst_hbm.at[wid], dstv)
    _fence_barrier(8000)

    def body(j, _):
        pltpu.sync_copy(ones_v, acc.at[dstv.at[j]], add=True)
        return 0

    lax.fori_loop(0, NCHUNK, body, 0)
    _fence_barrier(4000)

    pltpu.sync_copy(
        acc.at[pl.ds(row0, ROWS_PER_TILE)],
        out_hbm.at[cid, pl.ds(row0, ROWS_PER_TILE)],
    )


def _scatter_body(
    h_hbm, src_hbm, dst_hbm, zeros_hbm, out_hbm,
    srcv, dstv, rows_a, rows_b, acc, sem_z, sem_a, sem_b, sem_sa, sem_sb
):
    cid = lax.axis_index("c")
    sid = lax.axis_index("s")
    wid = sid * NCORE + cid
    row0 = sid * ROWS_PER_TILE

    pltpu.async_copy(
        zeros_hbm.at[pl.ds(row0, ROWS_PER_TILE)],
        acc.at[pl.ds(row0, ROWS_PER_TILE)],
        sem_z,
    ).wait()
    _fence_barrier(8000)

    nc = jnp.where(cid == 0, NC0, NC1)
    slab0 = jnp.where(cid == 0, sid * NC0, NSUB * NC0 + sid * NC1)
    nh = nc // 2

    for half in range(2):
        off = pl.multiple_of(slab0 + half * nh, 8)
        pltpu.sync_copy(src_hbm.at[pl.ds(off, HNC)], srcv)
        pltpu.sync_copy(dst_hbm.at[pl.ds(off, HNC)], dstv)

        def body(i, _):
            j = 2 * i
            da = pltpu.async_copy(h_hbm.at[srcv.at[j]], rows_a, sem_a)
            db = pltpu.async_copy(h_hbm.at[srcv.at[j + 1]], rows_b, sem_b)
            da.wait()
            sa = pltpu.async_copy(rows_a, acc.at[dstv.at[j]], sem_sa, add=True)
            db.wait()
            sb = pltpu.async_copy(rows_b, acc.at[dstv.at[j + 1]], sem_sb, add=True)
            sa.wait()
            sb.wait()
            return 0

        lax.fori_loop(0, nh // 2, body, 0)
    _fence_barrier(4000)

    pltpu.sync_copy(
        acc.at[pl.ds(row0, ROWS_PER_TILE)],
        out_hbm.at[cid, pl.ds(row0, ROWS_PER_TILE)],
    )


@functools.cache
def _sc_kernels():
    mesh = plsc.VectorSubcoreMesh(
        core_axis_name="c", subcore_axis_name="s",
        num_cores=NCORE, num_subcores=NSUB,
    )
    deg = pl.kernel(
        _deg_body,
        out_type=jax.ShapeDtypeStruct((NCORE, NPAD, 16), jnp.float32),
        mesh=mesh,
        scratch_types=[
            pltpu.VMEM((NCHUNK, CHUNK), jnp.int32),
            pltpu.VMEM((CHUNK, 16), jnp.float32),
            pltpu.VMEM_SHARED((NPAD, 16), jnp.float32),
            pltpu.SemaphoreType.DMA,
        ],
    )
    scat = pl.kernel(
        _scatter_body,
        out_type=jax.ShapeDtypeStruct((NCORE, NPAD, F), jnp.float32),
        mesh=mesh,
        scratch_types=[
            pltpu.VMEM((HNC, CHUNK), jnp.int32),
            pltpu.VMEM((HNC, CHUNK), jnp.int32),
            pltpu.VMEM((CHUNK, F), jnp.float32),
            pltpu.VMEM((CHUNK, F), jnp.float32),
            pltpu.VMEM_SHARED((NPAD, F), jnp.float32),
            pltpu.SemaphoreType.DMA,
            pltpu.SemaphoreType.DMA,
            pltpu.SemaphoreType.DMA,
            pltpu.SemaphoreType.DMA,
            pltpu.SemaphoreType.DMA,
        ],
    )
    return deg, scat


_BLK = 2528


def _dinv_of(degp_ref):
    deg = degp_ref[0][:, 0:1] + degp_ref[1][:, 0:1] + 1.0
    return lax.rsqrt(deg)


def _tc1_body(x_ref, w_ref, degp_ref, o_ref):
    dinv = _dinv_of(degp_ref)
    o_ref[...] = (
        jnp.dot(x_ref[...], w_ref[...], preferred_element_type=jnp.float32) * dinv
    )


def _tc2_body(accp_ref, h_ref, degp_ref, w_ref, b_ref, o_ref):
    i = pl.program_id(0)
    dinv = _dinv_of(degp_ref)
    z = dinv * (accp_ref[0] + accp_ref[1] + h_ref[...]) + b_ref[...]
    z = jnp.maximum(z, 0.0)
    rows = i * _BLK + lax.broadcasted_iota(jnp.int32, (_BLK, 1), 0)
    z = jnp.where(rows < N, z, 0.0)
    o_ref[...] = (
        jnp.dot(z, w_ref[...], preferred_element_type=jnp.float32) * dinv
    )


def _tc3_body(accp_ref, h_ref, degp_ref, b_ref, batch_ref, wfc_ref, bfc_ref, o_ref):
    dinv = _dinv_of(degp_ref)
    z = dinv * (accp_ref[0] + accp_ref[1] + h_ref[...]) + b_ref[...]
    z = jnp.maximum(z, 0.0)
    oh = (batch_ref[...] == lax.broadcasted_iota(jnp.int32, (1, G), 1)).astype(
        jnp.float32
    )
    s = lax.dot_general(
        oh, z, (((0,), (0,)), ((), ())), preferred_element_type=jnp.float32
    )
    cnt = jnp.sum(oh, axis=0)[:, None]
    g = s / jnp.maximum(cnt, 1.0)
    o_ref[...] = jax.nn.sigmoid(
        jnp.dot(g, wfc_ref[...], preferred_element_type=jnp.float32) + bfc_ref[...]
    )


def _tc1(xpad, W1, degp):
    return pl.pallas_call(
        _tc1_body,
        grid=(NPAD // _BLK,),
        in_specs=[
            pl.BlockSpec((_BLK, F), lambda i: (i, 0)),
            pl.BlockSpec((F, F), lambda i: (0, 0)),
            pl.BlockSpec((NCORE, _BLK, 16), lambda i: (0, i, 0)),
        ],
        out_specs=pl.BlockSpec((_BLK, F), lambda i: (i, 0)),
        out_shape=jax.ShapeDtypeStruct((NPAD, F), jnp.float32),
    )(xpad, W1, degp)


def _tc2(accp, hpad, degp, W2, b1):
    return pl.pallas_call(
        _tc2_body,
        grid=(NPAD // _BLK,),
        in_specs=[
            pl.BlockSpec((NCORE, _BLK, F), lambda i: (0, i, 0)),
            pl.BlockSpec((_BLK, F), lambda i: (i, 0)),
            pl.BlockSpec((NCORE, _BLK, 16), lambda i: (0, i, 0)),
            pl.BlockSpec((F, F), lambda i: (0, 0)),
            pl.BlockSpec((1, F), lambda i: (0, 0)),
        ],
        out_specs=pl.BlockSpec((_BLK, F), lambda i: (i, 0)),
        out_shape=jax.ShapeDtypeStruct((NPAD, F), jnp.float32),
    )(accp, hpad, degp, W2, b1)


def _tc3(accp, hpad, degp, b2, batchp, Wfc, bfc):
    return pl.pallas_call(
        _tc3_body,
        grid=(1,),
        in_specs=[
            pl.BlockSpec((NCORE, NPAD, F), lambda i: (0, 0, 0)),
            pl.BlockSpec((NPAD, F), lambda i: (0, 0)),
            pl.BlockSpec((NCORE, NPAD, 16), lambda i: (0, 0, 0)),
            pl.BlockSpec((1, F), lambda i: (0, 0)),
            pl.BlockSpec((NPAD, 1), lambda i: (0, 0)),
            pl.BlockSpec((F, 16), lambda i: (0, 0)),
            pl.BlockSpec((1, 16), lambda i: (0, 0)),
        ],
        out_specs=pl.BlockSpec((G, 16), lambda i: (0, 0)),
        out_shape=jax.ShapeDtypeStruct((G, 16), jnp.float32),
    )(accp, hpad, degp, b2, batchp, Wfc, bfc)


def kernel(x, edge_index, batch, W1, b1, W2, b2, Wfc, bfc):
    src = edge_index[0].astype(jnp.int32)
    dst = edge_index[1].astype(jnp.int32)
    pad = jnp.full((NE_PAD - NE,), N, jnp.int32)
    src3 = jnp.concatenate([src, pad]).reshape(NW, NCHUNK, CHUNK)
    dst3 = jnp.concatenate([dst, pad]).reshape(NW, NCHUNK, CHUNK)
    slack = jnp.full((TOTCH_PAD * CHUNK - NE_PAD,), N, jnp.int32)
    srcf = jnp.concatenate([src, pad, slack]).reshape(TOTCH_PAD, CHUNK)
    dstf = jnp.concatenate([dst, pad, slack]).reshape(TOTCH_PAD, CHUNK)

    xpad = jnp.pad(x, ((0, NPAD - N), (0, 0)))
    batchp = jnp.pad(
        batch.astype(jnp.int32), (0, NPAD - N), constant_values=G
    ).reshape(NPAD, 1)
    zeros_f = jnp.zeros((NPAD, F), jnp.float32)
    zeros_16 = jnp.zeros((NPAD, 16), jnp.float32)
    ones_16 = jnp.ones((CHUNK, 16), jnp.float32)

    deg_kernel, scatter_kernel = _sc_kernels()
    degp = deg_kernel(dst3, zeros_16, ones_16)
    h1 = _tc1(xpad, W1, degp)
    acc1 = scatter_kernel(h1, srcf, dstf, zeros_f)
    h2 = _tc2(acc1, h1, degp, W2, b1.reshape(1, F))
    acc2 = scatter_kernel(h2, srcf, dstf, zeros_f)
    return _tc3(acc2, h2, degp, b2.reshape(1, F), batchp, Wfc, bfc.reshape(1, 16))

# --- scband reference (transcript-rebuilt; emitter-appended) ---
"""Pipeline reference for scband-gnn-65953517797797 (READ-ONLY COPY).

The authoritative reference and input builder live on the scoring server;
editing this copy changes nothing except your own understanding.
"""

import jax, jax.numpy as jnp
import numpy as np

N_NODES = 10000
NUM_GRAPHS = 64

def gcn_conv(x, edge_index, W, b):
    # GCNConv: x' = D^{-1/2} (A + I) D^{-1/2} X W + b  (symmetric normalization, self-loops)
    src = edge_index[0]
    dst = edge_index[1]
    loop = jnp.arange(N_NODES, dtype=edge_index.dtype)
    src = jnp.concatenate([src, loop])
    dst = jnp.concatenate([dst, loop])
    deg = jnp.zeros((N_NODES,), dtype=x.dtype).at[dst].add(1.0)
    dinv = jnp.where(deg > 0, 1.0 / jnp.sqrt(deg), 0.0)
    norm = dinv[src] * dinv[dst]
    h = x @ W
    msg = h[src] * norm[:, None]
    out = jnp.zeros((N_NODES, W.shape[1]), dtype=x.dtype).at[dst].add(msg)
    return out + b

def global_mean_pool(x, batch):
    s = jax.ops.segment_sum(x, batch, num_segments=NUM_GRAPHS)
    cnt = jax.ops.segment_sum(jnp.ones((x.shape[0],), dtype=x.dtype), batch, num_segments=NUM_GRAPHS)
    return s / jnp.clip(cnt, 1.0)[:, None]

def setup_inputs(seed: int = 0) -> dict:
    key = jax.random.key(seed)
    k = jax.random.split(key, 10)
    x = jax.random.normal(k[0], (N_NODES, 128), dtype=jnp.float32)
    edge_index = jax.random.randint(k[1], (2, 320000), 0, N_NODES, dtype=jnp.int64)
    batch = jnp.sort(jax.random.randint(k[2], (N_NODES,), 0, NUM_GRAPHS, dtype=jnp.int64))
    W1 = jax.random.normal(k[3], (128, 128), dtype=jnp.float32) * (1.0 / np.sqrt(128))
    b1 = jnp.zeros((128,), dtype=jnp.float32)
    W2 = jax.random.normal(k[4], (128, 128), dtype=jnp.float32) * (1.0 / np.sqrt(128))
    b2 = jnp.zeros((128,), dtype=jnp.float32)
    Wfc = jax.random.normal(k[5], (128, 16), dtype=jnp.float32) * (1.0 / np.sqrt(128))
    bfc = jnp.zeros((16,), dtype=jnp.float32)
    return {"x": x, "edge_index": edge_index, "batch": batch, "W1": W1, "b1": b1, "W2": W2, "b2": b2, "Wfc": Wfc, "bfc": bfc}

def reference(x, edge_index, batch, W1, b1, W2, b2, Wfc, bfc):
    h = jax.nn.relu(gcn_conv(x, edge_index, W1, b1))
    h = jax.nn.relu(gcn_conv(h, edge_index, W2, b2))
    g = global_mean_pool(h, batch)
    out = jax.nn.sigmoid(g @ Wfc + bfc)
    return out

if __name__ == "__main__":
    import jax
    _d = setup_inputs()
    print(jax.jit(kernel)(*tuple(_d.values())))

</pallas_src>

<mosaic_0001>
#map = affine_map<(d0, d1) -> (0, 0, 0)>
#map1 = affine_map<(d0, d1) -> (0, 0)>
module attributes {stable_mosaic.version = 14 : i64} {
  func.func @_deg_body(%arg0: i32, %arg1: i32, %arg2: memref<32x80x128xi32, #tpu.memory_space<hbm>>, %arg3: memref<10112x16xf32, #tpu.memory_space<hbm>>, %arg4: memref<128x16xf32, #tpu.memory_space<hbm>>, %arg5: memref<2x10112x16xf32, #tpu.memory_space<hbm>>, %arg6: memref<80x128xi32, #tpu.memory_space<vmem>>, %arg7: memref<128x16xf32, #tpu.memory_space<vmem>>, %arg8: memref<10112x16xf32, #tpu.memory_space<vmem_shared>>, %arg9: memref<!tpu.dma_semaphore, #tpu.memory_space<semaphore_mem>>) attributes {dimension_semantics = [#tpu.dimension_semantics<core_parallel>, #tpu.dimension_semantics<subcore_parallel>], iteration_bounds = array<i64: 2, 16>, scalar_prefetch = 0 : i64, scratch_operands = 4 : i64, tpu.core_type = #tpu.core_type<sc_vector_subcore>, window_params = [{transform_indices = #map}, {transform_indices = #map1}, {transform_indices = #map1}, {transform_indices = #map}]} {
    %mul3A = arith.constant 2 : i32
    %mul3A_0 = arith.muli %arg1, %mul3A : i32
    %add3A = arith.addi %mul3A_0, %arg0 : i32
    %mul3A_1 = arith.constant 632 : i32
    %mul3A_2 = arith.muli %arg1, %mul3A_1 : i32
    %dma_start3A = arith.constant 0 : i32
    %dma_start3A_3 = tpu.memref_slice %arg8[%mul3A_2, %dma_start3A] : memref<10112x16xf32, #tpu.memory_space<vmem_shared>> -> memref<632x16xf32, #tpu.memory_space<vmem_shared>>
    %dma_start3A_4 = arith.constant 0 : i32
    %dma_start3A_5 = tpu.memref_slice %arg3[%mul3A_2, %dma_start3A_4] : memref<10112x16xf32, #tpu.memory_space<hbm>> -> memref<632x16xf32, #tpu.memory_space<hbm>>
    tpu.enqueue_dma source(%dma_start3A_5 : memref<632x16xf32, #tpu.memory_space<hbm>>) target(%dma_start3A_3 : memref<632x16xf32, #tpu.memory_space<vmem_shared>>) target_semaphore(%arg9 : memref<!tpu.dma_semaphore, #tpu.memory_space<semaphore_mem>>)
    %dma_wait3A = arith.constant 0 : i32
    %dma_wait3A_6 = tpu.memref_slice %arg8[%mul3A_2, %dma_wait3A] : memref<10112x16xf32, #tpu.memory_space<vmem_shared>> -> memref<632x16xf32, #tpu.memory_space<vmem_shared>>
    %dma_wait3A_7 = arith.constant 0 : i32
    %dma_wait3A_8 = tpu.memref_slice %arg3[%mul3A_2, %dma_wait3A_7] : memref<10112x16xf32, #tpu.memory_space<hbm>> -> memref<632x16xf32, #tpu.memory_space<hbm>>
    tpu.wait_dma2 semaphore(%arg9 : memref<!tpu.dma_semaphore, #tpu.memory_space<semaphore_mem>>) src(%dma_wait3A_8 : memref<632x16xf32, #tpu.memory_space<hbm>>) dst(%dma_wait3A_6 : memref<632x16xf32, #tpu.memory_space<vmem_shared>>)
    "tpu.region"() ({
      %run_scoped3A = tpu.sem_alloc : memref<!tpu.dma_semaphore, #tpu.memory_space<semaphore_mem>>
      tpu.enqueue_dma source(%arg4 : memref<128x16xf32, #tpu.memory_space<hbm>>) target(%arg7 : memref<128x16xf32, #tpu.memory_space<vmem>>) target_semaphore(%run_scoped3A : memref<!tpu.dma_semaphore, #tpu.memory_space<semaphore_mem>>)
      tpu.wait_dma2 semaphore(%run_scoped3A : memref<!tpu.dma_semaphore, #tpu.memory_space<semaphore_mem>>) src(%arg4 : memref<128x16xf32, #tpu.memory_space<hbm>>) dst(%arg7 : memref<128x16xf32, #tpu.memory_space<vmem>>)
      tpu.yield
    }) : () -> ()
    "tpu.region"() ({
      %run_scoped3A = tpu.sem_alloc : memref<!tpu.dma_semaphore, #tpu.memory_space<semaphore_mem>>
      %dma_start3A_19 = arith.constant 0 : i32
      %dma_start3A_20 = arith.constant 0 : i32
      %dma_start3A_21 = tpu.memref_slice %arg2[%add3A, %dma_start3A_19, %dma_start3A_20] : memref<32x80x128xi32, #tpu.memory_space<hbm>> -> memref<1x80x128xi32, #tpu.memory_space<hbm>>
      %dma_start3A_22 = tpu.memref_squeeze %dma_start3A_21 : memref<1x80x128xi32, #tpu.memory_space<hbm>> -> memref<80x128xi32, #tpu.memory_space<hbm>>
      %dma_start3A_23 = arith.constant 0 : i32
      %dma_start3A_24 = arith.constant 0 : i32
      %dma_start3A_25 = tpu.memref_slice %arg2[%add3A, %dma_start3A_23, %dma_start3A_24] : memref<32x80x128xi32, #tpu.memory_space<hbm>> -> memref<1x80x128xi32, #tpu.memory_space<hbm>>
      %dma_start3A_26 = tpu.memref_squeeze %dma_start3A_25 : memref<1x80x128xi32, #tpu.memory_space<hbm>> -> memref<80x128xi32, #tpu.memory_space<hbm>>
      tpu.enqueue_dma source(%dma_start3A_26 : memref<80x128xi32, #tpu.memory_space<hbm>>) target(%arg6 : memref<80x128xi32, #tpu.memory_space<vmem>>) target_semaphore(%run_scoped3A : memref<!tpu.dma_semaphore, #tpu.memory_space<semaphore_mem>>)
      %dma_wait3A_27 = arith.constant 0 : i32
      %dma_wait3A_28 = arith.constant 0 : i32
      %dma_wait3A_29 = tpu.memref_slice %arg2[%add3A, %dma_wait3A_27, %dma_wait3A_28] : memref<32x80x128xi32, #tpu.memory_space<hbm>> -> memref<1x80x128xi32, #tpu.memory_space<hbm>>
      %dma_wait3A_30 = tpu.memref_squeeze %dma_wait3A_29 : memref<1x80x128xi32, #tpu.memory_space<hbm>> -> memref<80x128xi32, #tpu.memory_space<hbm>>
      %dma_wait3A_31 = arith.constant 0 : i32
      %dma_wait3A_32 = arith.constant 0 : i32
      %dma_wait3A_33 = tpu.memref_slice %arg2[%add3A, %dma_wait3A_31, %dma_wait3A_32] : memref<32x80x128xi32, #tpu.memory_space<hbm>> -> memref<1x80x128xi32, #tpu.memory_space<hbm>>
      %dma_wait3A_34 = tpu.memref_squeeze %dma_wait3A_33 : memref<1x80x128xi32, #tpu.memory_space<hbm>> -> memref<80x128xi32, #tpu.memory_space<hbm>>
      tpu.wait_dma2 semaphore(%run_scoped3A : memref<!tpu.dma_semaphore, #tpu.memory_space<semaphore_mem>>) src(%dma_wait3A_34 : memref<80x128xi32, #tpu.memory_space<hbm>>) dst(%arg6 : memref<80x128xi32, #tpu.memory_space<vmem>>)
      tpu.yield
    }) : () -> ()
    %barrier3A = arith.constant 0 : index
    tpu.barrier barrier_id(%barrier3A)
    %delay3A = arith.constant 8000 : i32
    tpu.delay %delay3A
    %barrier3A_9 = arith.constant 0 : index
    tpu.barrier barrier_id(%barrier3A_9)
    %scan3A = arith.constant 0 : i32
    %scan3A_10 = arith.constant 0 : i32
    %scan3A_11 = arith.constant 80 : i32
    %scan3A_12 = arith.addi %scan3A_10, %scan3A_11 : i32
    %scan3A_13 = arith.constant 1 : i32
    %scan3A_14 = scf.for %scan3A_19 = %scan3A_10 to %scan3A_12 step %scan3A_13 iter_args(%scan3A_20 = %scan3A) -> (i32)  : i32 {
      "tpu.region"() ({
        %run_scoped3A = tpu.sem_alloc : memref<!tpu.dma_semaphore, #tpu.memory_space<semaphore_mem>>
        %dma_start3A_22 = arith.constant 0 : i32
        %dma_start3A_23 = tpu.memref_slice %arg6[%scan3A_19, %dma_start3A_22] : memref<80x128xi32, #tpu.memory_space<vmem>> -> memref<1x128xi32, #tpu.memory_space<vmem>>
        %dma_start3A_24 = tpu.memref_squeeze %dma_start3A_23 : memref<1x128xi32, #tpu.memory_space<vmem>> -> memref<128xi32, #tpu.memory_space<vmem>>
        %dma_start3A_25 = arith.constant 0 : i32
        %dma_start3A_26 = arith.constant 0 : i32
        %dma_start3A_27 = tpu.memref_slice %arg8[%dma_start3A_25, %dma_start3A_26] : memref<10112x16xf32, #tpu.memory_space<vmem_shared>> -> memref<10112x16xf32, #tpu.memory_space<vmem_shared>>
        tpu.enqueue_indirect_dma source(%arg7 : memref<128x16xf32, #tpu.memory_space<vmem>>) target(%dma_start3A_27 : memref<10112x16xf32, #tpu.memory_space<vmem_shared>>) offsets(%dma_start3A_24 : memref<128xi32, #tpu.memory_space<vmem>>) semaphore(%run_scoped3A : memref<!tpu.dma_semaphore, #tpu.memory_space<semaphore_mem>>) {add = true}
        %dma_wait3A_28 = arith.constant 0 : i32
        %dma_wait3A_29 = tpu.memref_slice %arg6[%scan3A_19, %dma_wait3A_28] : memref<80x128xi32, #tpu.memory_space<vmem>> -> memref<1x128xi32, #tpu.memory_space<vmem>>
        %dma_wait3A_30 = tpu.memref_squeeze %dma_wait3A_29 : memref<1x128xi32, #tpu.memory_space<vmem>> -> memref<128xi32, #tpu.memory_space<vmem>>
        %dma_wait3A_31 = arith.constant 0 : i32
        %dma_wait3A_32 = arith.constant 0 : i32
        %dma_wait3A_33 = tpu.memref_slice %arg8[%dma_wait3A_31, %dma_wait3A_32] : memref<10112x16xf32, #tpu.memory_space<vmem_shared>> -> memref<10112x16xf32, #tpu.memory_space<vmem_shared>>
        tpu.wait_indirect_dma semaphore(%run_scoped3A : memref<!tpu.dma_semaphore, #tpu.memory_space<semaphore_mem>>) src(%arg7 : memref<128x16xf32, #tpu.memory_space<vmem>>) dst(%dma_wait3A_33 : memref<10112x16xf32, #tpu.memory_space<vmem_shared>>)
        tpu.yield
      }) : () -> ()
      %scan3A_21 = arith.constant 0 : i32
      scf.yield %scan3A_21 : i32
    }
    %scan3A_15 = arith.constant 80 : i32
    %barrier3A_16 = arith.constant 0 : index
    tpu.barrier barrier_id(%barrier3A_16)
    %delay3A_17 = arith.constant 4000 : i32
    tpu.delay %delay3A_17
    %barrier3A_18 = arith.constant 0 : index
    tpu.barrier barrier_id(%barrier3A_18)
    "tpu.region"() ({
      %run_scoped3A = tpu.sem_alloc : memref<!tpu.dma_semaphore, #tpu.memory_space<semaphore_mem>>
      %dma_start3A_19 = arith.constant 0 : i32
      %dma_start3A_20 = tpu.memref_slice %arg5[%arg0, %mul3A_2, %dma_start3A_19] : memref<2x10112x16xf32, #tpu.memory_space<hbm>> -> memref<1x632x16xf32, #tpu.memory_space<hbm>>
      %dma_start3A_21 = tpu.memref_squeeze %dma_start3A_20 : memref<1x632x16xf32, #tpu.memory_space<hbm>> -> memref<632x16xf32, #tpu.memory_space<hbm>>
      %dma_start3A_22 = arith.constant 0 : i32
      %dma_start3A_23 = tpu.memref_slice %arg8[%mul3A_2, %dma_start3A_22] : memref<10112x16xf32, #tpu.memory_space<vmem_shared>> -> memref<632x16xf32, #tpu.memory_space<vmem_shared>>
      tpu.enqueue_dma source(%dma_start3A_23 : memref<632x16xf32, #tpu.memory_space<vmem_shared>>) target(%dma_start3A_21 : memref<632x16xf32, #tpu.memory_space<hbm>>) target_semaphore(%run_scoped3A : memref<!tpu.dma_semaphore, #tpu.memory_space<semaphore_mem>>)
      %dma_wait3A_24 = arith.constant 0 : i32
      %dma_wait3A_25 = tpu.memref_slice %arg5[%arg0, %mul3A_2, %dma_wait3A_24] : memref<2x10112x16xf32, #tpu.memory_space<hbm>> -> memref<1x632x16xf32, #tpu.memory_space<hbm>>
      %dma_wait3A_26 = tpu.memref_squeeze %dma_wait3A_25 : memref<1x632x16xf32, #tpu.memory_space<hbm>> -> memref<632x16xf32, #tpu.memory_space<hbm>>
      %dma_wait3A_27 = arith.constant 0 : i32
      %dma_wait3A_28 = tpu.memref_slice %arg8[%mul3A_2, %dma_wait3A_27] : memref<10112x16xf32, #tpu.memory_space<vmem_shared>> -> memref<632x16xf32, #tpu.memory_space<vmem_shared>>
      tpu.wait_dma2 semaphore(%run_scoped3A : memref<!tpu.dma_semaphore, #tpu.memory_space<semaphore_mem>>) src(%dma_wait3A_28 : memref<632x16xf32, #tpu.memory_space<vmem_shared>>) dst(%dma_wait3A_26 : memref<632x16xf32, #tpu.memory_space<hbm>>)
      tpu.yield
    }) : () -> ()
    return
  }
}

#map = affine_map<(d0, d1) -> (0, 0)>
#map1 = affine_map<(d0, d1) -> (0, 0, 0)>
module attributes {stable_mosaic.version = 14 : i64} {
  func.func @_scatter_body(%arg0: i32, %arg1: i32, %arg2: memref<10112x128xf32, #tpu.memory_space<hbm>>, %arg3: memref<2592x128xi32, #tpu.memory_space<hbm>>, %arg4: memref<2592x128xi32, #tpu.memory_space<hbm>>, %arg5: memref<10112x128xf32, #tpu.memory_space<hbm>>, %arg6: memref<2x10112x128xf32, #tpu.memory_space<hbm>>, %arg7: memref<64x128xi32, #tpu.memory_space<vmem>>, %arg8: memref<64x128xi32, #tpu.memory_space<vmem>>, %arg9: memref<128x128xf32, #tpu.memory_space<vmem>>, %arg10: memref<128x128xf32, #tpu.memory_space<vmem>>, %arg11: memref<10112x128xf32, #tpu.memory_space<vmem_shared>>, %arg12: memref<!tpu.dma_semaphore, #tpu.memory_space<semaphore_mem>>, %arg13: memref<!tpu.dma_semaphore, #tpu.memory_space<semaphore_mem>>, %arg14: memref<!tpu.dma_semaphore, #tpu.memory_space<semaphore_mem>>, %arg15: memref<!tpu.dma_semaphore, #tpu.memory_space<semaphore_mem>>, %arg16: memref<!tpu.dma_semaphore, #tpu.memory_space<semaphore_mem>>) attributes {dimension_semantics = [#tpu.dimension_semantics<core_parallel>, #tpu.dimension_semantics<subcore_parallel>], iteration_bounds = array<i64: 2, 16>, scalar_prefetch = 0 : i64, scratch_operands = 10 : i64, tpu.core_type = #tpu.core_type<sc_vector_subcore>, window_params = [{transform_indices = #map}, {transform_indices = #map}, {transform_indices = #map}, {transform_indices = #map}, {transform_indices = #map1}]} {
    %mul3A = arith.constant 2 : i32
    %mul3A_0 = arith.muli %arg1, %mul3A : i32
    %add3A = arith.addi %mul3A_0, %arg0 : i32
    %mul3A_1 = arith.constant 632 : i32
    %mul3A_2 = arith.muli %arg1, %mul3A_1 : i32
    %dma_start3A = arith.constant 0 : i32
    %dma_start3A_3 = tpu.memref_slice %arg11[%mul3A_2, %dma_start3A] : memref<10112x128xf32, #tpu.memory_space<vmem_shared>> -> memref<632x128xf32, #tpu.memory_space<vmem_shared>>
    %dma_start3A_4 = arith.constant 0 : i32
    %dma_start3A_5 = tpu.memref_slice %arg5[%mul3A_2, %dma_start3A_4] : memref<10112x128xf32, #tpu.memory_space<hbm>> -> memref<632x128xf32, #tpu.memory_space<hbm>>
    tpu.enqueue_dma source(%dma_start3A_5 : memref<632x128xf32, #tpu.memory_space<hbm>>) target(%dma_start3A_3 : memref<632x128xf32, #tpu.memory_space<vmem_shared>>) target_semaphore(%arg12 : memref<!tpu.dma_semaphore, #tpu.memory_space<semaphore_mem>>)
    %dma_wait3A = arith.constant 0 : i32
    %dma_wait3A_6 = tpu.memref_slice %arg11[%mul3A_2, %dma_wait3A] : memref<10112x128xf32, #tpu.memory_space<vmem_shared>> -> memref<632x128xf32, #tpu.memory_space<vmem_shared>>
    %dma_wait3A_7 = arith.constant 0 : i32
    %dma_wait3A_8 = tpu.memref_slice %arg5[%mul3A_2, %dma_wait3A_7] : memref<10112x128xf32, #tpu.memory_space<hbm>> -> memref<632x128xf32, #tpu.memory_space<hbm>>
    tpu.wait_dma2 semaphore(%arg12 : memref<!tpu.dma_semaphore, #tpu.memory_space<semaphore_mem>>) src(%dma_wait3A_8 : memref<632x128xf32, #tpu.memory_space<hbm>>) dst(%dma_wait3A_6 : memref<632x128xf32, #tpu.memory_space<vmem_shared>>)
    %barrier3A = arith.constant 0 : index
    tpu.barrier barrier_id(%barrier3A)
    %delay3A = arith.constant 8000 : i32
    tpu.delay %delay3A
    %barrier3A_9 = arith.constant 0 : index
    tpu.barrier barrier_id(%barrier3A_9)
    %eq3A = arith.constant 0 : i32
    %eq3A_10 = arith.cmpi eq, %arg0, %eq3A : i32
    %jit3A = arith.constant 128 : i32
    %jit3A_11 = arith.constant 32 : i32
    %select_n3A = arith.select %eq3A_10, %jit3A, %jit3A_11 : i32
    %eq3A_12 = arith.constant 0 : i32
    %eq3A_13 = arith.cmpi eq, %arg0, %eq3A_12 : i32
    %mul3A_14 = arith.constant 128 : i32
    %mul3A_15 = arith.muli %arg1, %mul3A_14 : i32
    %mul3A_16 = arith.constant 32 : i32
    %mul3A_17 = arith.muli %arg1, %mul3A_16 : i32
    %add3A_18 = arith.constant 2048 : i32
    %add3A_19 = arith.addi %add3A_18, %mul3A_17 : i32
    %select_n3A_20 = arith.select %eq3A_13, %mul3A_15, %add3A_19 : i32
    %jit3A_21 = arith.constant 2 : i32
    %div3A = arith.divsi %select_n3A, %jit3A_21 : i32
    %sign3A = arith.constant 0 : i32
    %sign3A_22 = arith.cmpi sgt, %select_n3A, %sign3A : i32
    %sign3A_23 = arith.extui %sign3A_22 : i1 to i32
    %sign3A_24 = arith.constant 0 : i32
    %sign3A_25 = arith.cmpi slt, %select_n3A, %sign3A_24 : i32
    %sign3A_26 = arith.extui %sign3A_25 : i1 to i32
    %sign3A_27 = arith.subi %sign3A_23, %sign3A_26 : i32
    %sign3A_28 = arith.constant 0 : i32
    %sign3A_29 = arith.cmpi sgt, %jit3A_21, %sign3A_28 : i32
    %sign3A_30 = arith.extui %sign3A_29 : i1 to i32
    %sign3A_31 = arith.constant 0 : i32
    %sign3A_32 = arith.cmpi slt, %jit3A_21, %sign3A_31 : i32
    %sign3A_33 = arith.extui %sign3A_32 : i1 to i32
    %sign3A_34 = arith.subi %sign3A_30, %sign3A_33 : i32
    %ne3A = arith.cmpi ne, %sign3A_27, %sign3A_34 : i32
    %rem3A = arith.remsi %select_n3A, %jit3A_21 : i32
    %ne3A_35 = arith.constant 0 : i32
    %ne3A_36 = arith.cmpi ne, %rem3A, %ne3A_35 : i32
    %and3A = arith.andi %ne3A, %ne3A_36 : i1
    %sub3A = arith.constant 1 : i32
    %sub3A_37 = arith.subi %div3A, %sub3A : i32
    %select_n3A_38 = arith.select %and3A, %sub3A_37, %div3A : i32
    %mul3A_39 = arith.constant 0 : i32
    %mul3A_40 = arith.muli %mul3A_39, %select_n3A_38 : i32
    %add3A_41 = arith.addi %select_n3A_20, %mul3A_40 : i32
    %multiple_of3A = tpu.assume_multiple %add3A_41, 8 : i32
    "tpu.region"() ({
      %run_scoped3A = tpu.sem_alloc : memref<!tpu.dma_semaphore, #tpu.memory_space<semaphore_mem>>
      %dma_start3A_120 = arith.constant 0 : i32
      %dma_start3A_121 = tpu.memref_slice %arg3[%multiple_of3A, %dma_start3A_120] : memref<2592x128xi32, #tpu.memory_space<hbm>> -> memref<64x128xi32, #tpu.memory_space<hbm>>
      %dma_start3A_122 = arith.constant 0 : i32
      %dma_start3A_123 = tpu.memref_slice %arg3[%multiple_of3A, %dma_start3A_122] : memref<2592x128xi32, #tpu.memory_space<hbm>> -> memref<64x128xi32, #tpu.memory_space<hbm>>
      tpu.enqueue_dma source(%dma_start3A_123 : memref<64x128xi32, #tpu.memory_space<hbm>>) target(%arg7 : memref<64x128xi32, #tpu.memory_space<vmem>>) target_semaphore(%run_scoped3A : memref<!tpu.dma_semaphore, #tpu.memory_space<semaphore_mem>>)
      %dma_wait3A_124 = arith.constant 0 : i32
      %dma_wait3A_125 = tpu.memref_slice %arg3[%multiple_of3A, %dma_wait3A_124] : memref<2592x128xi32, #tpu.memory_space<hbm>> -> memref<64x128xi32, #tpu.memory_space<hbm>>
      %dma_wait3A_126 = arith.constant 0 : i32
      %dma_wait3A_127 = tpu.memref_slice %arg3[%multiple_of3A, %dma_wait3A_126] : memref<2592x128xi32, #tpu.memory_space<hbm>> -> memref<64x128xi32, #tpu.memory_space<hbm>>
      tpu.wait_dma2 semaphore(%run_scoped3A : memref<!tpu.dma_semaphore, #tpu.memory_space<semaphore_mem>>) src(%dma_wait3A_127 : memref<64x128xi32, #tpu.memory_space<hbm>>) dst(%arg7 : memref<64x128xi32, #tpu.memory_space<vmem>>)
      tpu.yield
    }) : () -> ()
    "tpu.region"() ({
      %run_scoped3A = tpu.sem_alloc : memref<!tpu.dma_semaphore, #tpu.memory_space<semaphore_mem>>
      %dma_start3A_120 = arith.constant 0 : i32
      %dma_start3A_121 = tpu.memref_slice %arg4[%multiple_of3A, %dma_start3A_120] : memref<2592x128xi32, #tpu.memory_space<hbm>> -> memref<64x128xi32, #tpu.memory_space<hbm>>
      %dma_start3A_122 = arith.constant 0 : i32
      %dma_start3A_123 = tpu.memref_slice %arg4[%multiple_of3A, %dma_start3A_122] : memref<2592x128xi32, #tpu.memory_space<hbm>> -> memref<64x128xi32, #tpu.memory_space<hbm>>
      tpu.enqueue_dma source(%dma_start3A_123 : memref<64x128xi32, #tpu.memory_space<hbm>>) target(%arg8 : memref<64x128xi32, #tpu.memory_space<vmem>>) target_semaphore(%run_scoped3A : memref<!tpu.dma_semaphore, #tpu.memory_space<semaphore_mem>>)
      %dma_wait3A_124 = arith.constant 0 : i32
      %dma_wait3A_125 = tpu.memref_slice %arg4[%multiple_of3A, %dma_wait3A_124] : memref<2592x128xi32, #tpu.memory_space<hbm>> -> memref<64x128xi32, #tpu.memory_space<hbm>>
      %dma_wait3A_126 = arith.constant 0 : i32
      %dma_wait3A_127 = tpu.memref_slice %arg4[%multiple_of3A, %dma_wait3A_126] : memref<2592x128xi32, #tpu.memory_space<hbm>> -> memref<64x128xi32, #tpu.memory_space<hbm>>
      tpu.wait_dma2 semaphore(%run_scoped3A : memref<!tpu.dma_semaphore, #tpu.memory_space<semaphore_mem>>) src(%dma_wait3A_127 : memref<64x128xi32, #tpu.memory_space<hbm>>) dst(%arg8 : memref<64x128xi32, #tpu.memory_space<vmem>>)
      tpu.yield
    }) : () -> ()
    %jit3A_42 = arith.constant 2 : i32
    %div3A_43 = arith.divsi %select_n3A_38, %jit3A_42 : i32
    %sign3A_44 = arith.constant 0 : i32
    %sign3A_45 = arith.cmpi sgt, %select_n3A_38, %sign3A_44 : i32
    %sign3A_46 = arith.extui %sign3A_45 : i1 to i32
    %sign3A_47 = arith.constant 0 : i32
    %sign3A_48 = arith.cmpi slt, %select_n3A_38, %sign3A_47 : i32
    %sign3A_49 = arith.extui %sign3A_48 : i1 to i32
    %sign3A_50 = arith.subi %sign3A_46, %sign3A_49 : i32
    %sign3A_51 = arith.constant 0 : i32
    %sign3A_52 = arith.cmpi sgt, %jit3A_42, %sign3A_51 : i32
    %sign3A_53 = arith.extui %sign3A_52 : i1 to i32
    %sign3A_54 = arith.constant 0 : i32
    %sign3A_55 = arith.cmpi slt, %jit3A_42, %sign3A_54 : i32
    %sign3A_56 = arith.extui %sign3A_55 : i1 to i32
    %sign3A_57 = arith.subi %sign3A_53, %sign3A_56 : i32
    %ne3A_58 = arith.cmpi ne, %sign3A_50, %sign3A_57 : i32
    %rem3A_59 = arith.remsi %select_n3A_38, %jit3A_42 : i32
    %ne3A_60 = arith.constant 0 : i32
    %ne3A_61 = arith.cmpi ne, %rem3A_59, %ne3A_60 : i32
    %and3A_62 = arith.andi %ne3A_58, %ne3A_61 : i1
    %sub3A_63 = arith.constant 1 : i32
    %sub3A_64 = arith.subi %div3A_43, %sub3A_63 : i32
    %select_n3A_65 = arith.select %and3A_62, %sub3A_64, %div3A_43 : i32
    %while3A = arith.constant 0 : i32
    %while3A_66 = arith.constant 0 : i32
    %while3A_67 = arith.subi %select_n3A_65, %while3A : i32
    %while3A_68 = arith.addi %while3A, %while3A_67 : i32
    %while3A_69 = arith.constant 1 : i32
    %while3A_70 = arith.divsi %while3A_67, %while3A_69 : i32
    %while3A_71 = arith.muli %while3A_70, %while3A_69 : i32
    %while3A_72 = arith.addi %while3A, %while3A_71 : i32
    %while3A_73 = arith.constant 1 : i32
    %while3A_74 = scf.for %while3A_120 = %while3A to %while3A_72 step %while3A_73 iter_args(%while3A_121 = %while3A_66) -> (i32)  : i32 {
      %mul3A_122 = arith.constant 2 : i32
      %mul3A_123 = arith.muli %mul3A_122, %while3A_120 : i32
      %dma_start3A_124 = arith.constant 0 : i32
      %dma_start3A_125 = tpu.memref_slice %arg7[%mul3A_123, %dma_start3A_124] : memref<64x128xi32, #tpu.memory_space<vmem>> -> memref<1x128xi32, #tpu.memory_space<vmem>>
      %dma_start3A_126 = tpu.memref_squeeze %dma_start3A_125 : memref<1x128xi32, #tpu.memory_space<vmem>> -> memref<128xi32, #tpu.memory_space<vmem>>
      %dma_start3A_127 = arith.constant 0 : i32
      %dma_start3A_128 = arith.constant 0 : i32
      %dma_start3A_129 = tpu.memref_slice %arg2[%dma_start3A_127, %dma_start3A_128] : memref<10112x128xf32, #tpu.memory_space<hbm>> -> memref<10112x128xf32, #tpu.memory_space<hbm>>
      tpu.enqueue_indirect_dma source(%dma_start3A_129 : memref<10112x128xf32, #tpu.memory_space<hbm>>) target(%arg9 : memref<128x128xf32, #tpu.memory_space<vmem>>) offsets(%dma_start3A_126 : memref<128xi32, #tpu.memory_space<vmem>>) semaphore(%arg13 : memref<!tpu.dma_semaphore, #tpu.memory_space<semaphore_mem>>)
      %add3A_130 = arith.constant 1 : i32
      %add3A_131 = arith.addi %mul3A_123, %add3A_130 : i32
      %dma_start3A_132 = arith.constant 0 : i32
      %dma_start3A_133 = tpu.memref_slice %arg7[%add3A_131, %dma_start3A_132] : memref<64x128xi32, #tpu.memory_space<vmem>> -> memref<1x128xi32, #tpu.memory_space<vmem>>
      %dma_start3A_134 = tpu.memref_squeeze %dma_start3A_133 : memref<1x128xi32, #tpu.memory_space<vmem>> -> memref<128xi32, #tpu.memory_space<vmem>>
      %dma_start3A_135 = arith.constant 0 : i32
      %dma_start3A_136 = arith.constant 0 : i32
      %dma_start3A_137 = tpu.memref_slice %arg2[%dma_start3A_135, %dma_start3A_136] : memref<10112x128xf32, #tpu.memory_space<hbm>> -> memref<10112x128xf32, #tpu.memory_space<hbm>>
      tpu.enqueue_indirect_dma source(%dma_start3A_137 : memref<10112x128xf32, #tpu.memory_space<hbm>>) target(%arg10 : memref<128x128xf32, #tpu.memory_space<vmem>>) offsets(%dma_start3A_134 : memref<128xi32, #tpu.memory_space<vmem>>) semaphore(%arg14 : memref<!tpu.dma_semaphore, #tpu.memory_space<semaphore_mem>>)
      %dma_wait3A_138 = arith.constant 0 : i32
      %dma_wait3A_139 = tpu.memref_slice %arg7[%mul3A_123, %dma_wait3A_138] : memref<64x128xi32, #tpu.memory_space<vmem>> -> memref<1x128xi32, #tpu.memory_space<vmem>>
      %dma_wait3A_140 = tpu.memref_squeeze %dma_wait3A_139 : memref<1x128xi32, #tpu.memory_space<vmem>> -> memref<128xi32, #tpu.memory_space<vmem>>
      %dma_wait3A_141 = arith.constant 0 : i32
      %dma_wait3A_142 = arith.constant 0 : i32
      %dma_wait3A_143 = tpu.memref_slice %arg2[%dma_wait3A_141, %dma_wait3A_142] : memref<10112x128xf32, #tpu.memory_space<hbm>> -> memref<10112x128xf32, #tpu.memory_space<hbm>>
      tpu.wait_indirect_dma semaphore(%arg13 : memref<!tpu.dma_semaphore, #tpu.memory_space<semaphore_mem>>) src(%dma_wait3A_143 : memref<10112x128xf32, #tpu.memory_space<hbm>>) dst(%arg9 : memref<128x128xf32, #tpu.memory_space<vmem>>)
      %dma_start3A_144 = arith.constant 0 : i32
      %dma_start3A_145 = tpu.memref_slice %arg8[%mul3A_123, %dma_start3A_144] : memref<64x128xi32, #tpu.memory_space<vmem>> -> memref<1x128xi32, #tpu.memory_space<vmem>>
      %dma_start3A_146 = tpu.memref_squeeze %dma_start3A_145 : memref<1x128xi32, #tpu.memory_space<vmem>> -> memref<128xi32, #tpu.memory_space<vmem>>
      %dma_start3A_147 = arith.constant 0 : i32
      %dma_start3A_148 = arith.constant 0 : i32
      %dma_start3A_149 = tpu.memref_slice %arg11[%dma_start3A_147, %dma_start3A_148] : memref<10112x128xf32, #tpu.memory_space<vmem_shared>> -> memref<10112x128xf32, #tpu.memory_space<vmem_shared>>
      tpu.enqueue_indirect_dma source(%arg9 : memref<128x128xf32, #tpu.memory_space<vmem>>) target(%dma_start3A_149 : memref<10112x128xf32, #tpu.memory_space<vmem_shared>>) offsets(%dma_start3A_146 : memref<128xi32, #tpu.memory_space<vmem>>) semaphore(%arg15 : memref<!tpu.dma_semaphore, #tpu.memory_space<semaphore_mem>>) {add = true}
      %dma_wait3A_150 = arith.constant 0 : i32
      %dma_wait3A_151 = tpu.memref_slice %arg7[%add3A_131, %dma_wait3A_150] : memref<64x128xi32, #tpu.memory_space<vmem>> -> memref<1x128xi32, #tpu.memory_space<vmem>>
      %dma_wait3A_152 = tpu.memref_squeeze %dma_wait3A_151 : memref<1x128xi32, #tpu.memory_space<vmem>> -> memref<128xi32, #tpu.memory_space<vmem>>
      %dma_wait3A_153 = arith.constant 0 : i32
      %dma_wait3A_154 = arith.constant 0 : i32
      %dma_wait3A_155 = tpu.memref_slice %arg2[%dma_wait3A_153, %dma_wait3A_154] : memref<10112x128xf32, #tpu.memory_space<hbm>> -> memref<10112x128xf32, #tpu.memory_space<hbm>>
      tpu.wait_indirect_dma semaphore(%arg14 : memref<!tpu.dma_semaphore, #tpu.memory_space<semaphore_mem>>) src(%dma_wait3A_155 : memref<10112x128xf32, #tpu.memory_space<hbm>>) dst(%arg10 : memref<128x128xf32, #tpu.memory_space<vmem>>)
      %add3A_156 = arith.constant 1 : i32
      %add3A_157 = arith.addi %mul3A_123, %add3A_156 : i32
      %dma_start3A_158 = arith.constant 0 : i32
      %dma_start3A_159 = tpu.memref_slice %arg8[%add3A_157, %dma_start3A_158] : memref<64x128xi32, #tpu.memory_space<vmem>> -> memref<1x128xi32, #tpu.memory_space<vmem>>
      %dma_start3A_160 = tpu.memref_squeeze %dma_start3A_159 : memref<1x128xi32, #tpu.memory_space<vmem>> -> memref<128xi32, #tpu.memory_space<vmem>>
      %dma_start3A_161 = arith.constant 0 : i32
      %dma_start3A_162 = arith.constant 0 : i32
      %dma_start3A_163 = tpu.memref_slice %arg11[%dma_start3A_161, %dma_start3A_162] : memref<10112x128xf32, #tpu.memory_space<vmem_shared>> -> memref<10112x128xf32, #tpu.memory_space<vmem_shared>>
      tpu.enqueue_indirect_dma source(%arg10 : memref<128x128xf32, #tpu.memory_space<vmem>>) target(%dma_start3A_163 : memref<10112x128xf32, #tpu.memory_space<vmem_shared>>) offsets(%dma_start3A_160 : memref<128xi32, #tpu.memory_space<vmem>>) semaphore(%arg16 : memref<!tpu.dma_semaphore, #tpu.memory_space<semaphore_mem>>) {add = true}
      %dma_wait3A_164 = arith.constant 0 : i32
      %dma_wait3A_165 = tpu.memref_slice %arg8[%mul3A_123, %dma_wait3A_164] : memref<64x128xi32, #tpu.memory_space<vmem>> -> memref<1x128xi32, #tpu.memory_space<vmem>>
      %dma_wait3A_166 = tpu.memref_squeeze %dma_wait3A_165 : memref<1x128xi32, #tpu.memory_space<vmem>> -> memref<128xi32, #tpu.memory_space<vmem>>
      %dma_wait3A_167 = arith.constant 0 : i32
      %dma_wait3A_168 = arith.constant 0 : i32
      %dma_wait3A_169 = tpu.memref_slice %arg11[%dma_wait3A_167, %dma_wait3A_168] : memref<10112x128xf32, #tpu.memory_space<vmem_shared>> -> memref<10112x128xf32, #tpu.memory_space<vmem_shared>>
      tpu.wait_indirect_dma semaphore(%arg15 : memref<!tpu.dma_semaphore, #tpu.memory_space<semaphore_mem>>) src(%arg9 : memref<128x128xf32, #tpu.memory_space<vmem>>) dst(%dma_wait3A_169 : memref<10112x128xf32, #tpu.memory_space<vmem_shared>>)
      %dma_wait3A_170 = arith.constant 0 : i32
      %dma_wait3A_171 = tpu.memref_slice %arg8[%add3A_157, %dma_wait3A_170] : memref<64x128xi32, #tpu.memory_space<vmem>> -> memref<1x128xi32, #tpu.memory_space<vmem>>
      %dma_wait3A_172 = tpu.memref_squeeze %dma_wait3A_171 : memref<1x128xi32, #tpu.memory_space<vmem>> -> memref<128xi32, #tpu.memory_space<vmem>>
      %dma_wait3A_173 = arith.constant 0 : i32
      %dma_wait3A_174 = arith.constant 0 : i32
      %dma_wait3A_175 = tpu.memref_slice %arg11[%dma_wait3A_173, %dma_wait3A_174] : memref<10112x128xf32, #tpu.memory_space<vmem_shared>> -> memref<10112x128xf32, #tpu.memory_space<vmem_shared>>
      tpu.wait_indirect_dma semaphore(%arg16 : memref<!tpu.dma_semaphore, #tpu.memory_space<semaphore_mem>>) src(%arg10 : memref<128x128xf32, #tpu.memory_space<vmem>>) dst(%dma_wait3A_175 : memref<10112x128xf32, #tpu.memory_space<vmem_shared>>)
      %while3A_176 = arith.constant 0 : i32
      scf.yield %while3A_176 : i32
    }
    %while3A_75 = arith.constant 1 : i32
    %while3A_76 = scf.for %while3A_120 = %while3A_72 to %while3A_68 step %while3A_75 iter_args(%while3A_121 = %while3A_74) -> (i32)  : i32 {
      %mul3A_122 = arith.constant 2 : i32
      %mul3A_123 = arith.muli %mul3A_122, %while3A_120 : i32
      %dma_start3A_124 = arith.constant 0 : i32
      %dma_start3A_125 = tpu.memref_slice %arg7[%mul3A_123, %dma_start3A_124] : memref<64x128xi32, #tpu.memory_space<vmem>> -> memref<1x128xi32, #tpu.memory_space<vmem>>
      %dma_start3A_126 = tpu.memref_squeeze %dma_start3A_125 : memref<1x128xi32, #tpu.memory_space<vmem>> -> memref<128xi32, #tpu.memory_space<vmem>>
      %dma_start3A_127 = arith.constant 0 : i32
      %dma_start3A_128 = arith.constant 0 : i32
      %dma_start3A_129 = tpu.memref_slice %arg2[%dma_start3A_127, %dma_start3A_128] : memref<10112x128xf32, #tpu.memory_space<hbm>> -> memref<10112x128xf32, #tpu.memory_space<hbm>>
      tpu.enqueue_indirect_dma source(%dma_start3A_129 : memref<10112x128xf32, #tpu.memory_space<hbm>>) target(%arg9 : memref<128x128xf32, #tpu.memory_space<vmem>>) offsets(%dma_start3A_126 : memref<128xi32, #tpu.memory_space<vmem>>) semaphore(%arg13 : memref<!tpu.dma_semaphore, #tpu.memory_space<semaphore_mem>>)
      %add3A_130 = arith.constant 1 : i32
      %add3A_131 = arith.addi %mul3A_123, %add3A_130 : i32
      %dma_start3A_132 = arith.constant 0 : i32
      %dma_start3A_133 = tpu.memref_slice %arg7[%add3A_131, %dma_start3A_132] : memref<64x128xi32, #tpu.memory_space<vmem>> -> memref<1x128xi32, #tpu.memory_space<vmem>>
      %dma_start3A_134 = tpu.memref_squeeze %dma_start3A_133 : memref<1x128xi32, #tpu.memory_space<vmem>> -> memref<128xi32, #tpu.memory_space<vmem>>
      %dma_start3A_135 = arith.constant 0 : i32
      %dma_start3A_136 = arith.constant 0 : i32
      %dma_start3A_137 = tpu.memref_slice %arg2[%dma_start3A_135, %dma_start3A_136] : memref<10112x128xf32, #tpu.memory_space<hbm>> -> memref<10112x128xf32, #tpu.memory_space<hbm>>
      tpu.enqueue_indirect_dma source(%dma_start3A_137 : memref<10112x128xf32, #tpu.memory_space<hbm>>) target(%arg10 : memref<128x128xf32, #tpu.memory_space<vmem>>) offsets(%dma_start3A_134 : memref<128xi32, #tpu.memory_space<vmem>>) semaphore(%arg14 : memref<!tpu.dma_semaphore, #tpu.memory_space<semaphore_mem>>)
      %dma_wait3A_138 = arith.constant 0 : i32
      %dma_wait3A_139 = tpu.memref_slice %arg7[%mul3A_123, %dma_wait3A_138] : memref<64x128xi32, #tpu.memory_space<vmem>> -> memref<1x128xi32, #tpu.memory_space<vmem>>
      %dma_wait3A_140 = tpu.memref_squeeze %dma_wait3A_139 : memref<1x128xi32, #tpu.memory_space<vmem>> -> memref<128xi32, #tpu.memory_space<vmem>>
      %dma_wait3A_141 = arith.constant 0 : i32
      %dma_wait3A_142 = arith.constant 0 : i32
      %dma_wait3A_143 = tpu.memref_slice %arg2[%dma_wait3A_141, %dma_wait3A_142] : memref<10112x128xf32, #tpu.memory_space<hbm>> -> memref<10112x128xf32, #tpu.memory_space<hbm>>
      tpu.wait_indirect_dma semaphore(%arg13 : memref<!tpu.dma_semaphore, #tpu.memory_space<semaphore_mem>>) src(%dma_wait3A_143 : memref<10112x128xf32, #tpu.memory_space<hbm>>) dst(%arg9 : memref<128x128xf32, #tpu.memory_space<vmem>>)
      %dma_start3A_144 = arith.constant 0 : i32
      %dma_start3A_145 = tpu.memref_slice %arg8[%mul3A_123, %dma_start3A_144] : memref<64x128xi32, #tpu.memory_space<vmem>> -> memref<1x128xi32, #tpu.memory_space<vmem>>
      %dma_start3A_146 = tpu.memref_squeeze %dma_start3A_145 : memref<1x128xi32, #tpu.memory_space<vmem>> -> memref<128xi32, #tpu.memory_space<vmem>>
      %dma_start3A_147 = arith.constant 0 : i32
      %dma_start3A_148 = arith.constant 0 : i32
      %dma_start3A_149 = tpu.memref_slice %arg11[%dma_start3A_147, %dma_start3A_148] : memref<10112x128xf32, #tpu.memory_space<vmem_shared>> -> memref<10112x128xf32, #tpu.memory_space<vmem_shared>>
      tpu.enqueue_indirect_dma source(%arg9 : memref<128x128xf32, #tpu.memory_space<vmem>>) target(%dma_start3A_149 : memref<10112x128xf32, #tpu.memory_space<vmem_shared>>) offsets(%dma_start3A_146 : memref<128xi32, #tpu.memory_space<vmem>>) semaphore(%arg15 : memref<!tpu.dma_semaphore, #tpu.memory_space<semaphore_mem>>) {add = true}
      %dma_wait3A_150 = arith.constant 0 : i32
      %dma_wait3A_151 = tpu.memref_slice %arg7[%add3A_131, %dma_wait3A_150] : memref<64x128xi32, #tpu.memory_space<vmem>> -> memref<1x128xi32, #tpu.memory_space<vmem>>
      %dma_wait3A_152 = tpu.memref_squeeze %dma_wait3A_151 : memref<1x128xi32, #tpu.memory_space<vmem>> -> memref<128xi32, #tpu.memory_space<vmem>>
      %dma_wait3A_153 = arith.constant 0 : i32
      %dma_wait3A_154 = arith.constant 0 : i32
      %dma_wait3A_155 = tpu.memref_slice %arg2[%dma_wait3A_153, %dma_wait3A_154] : memref<10112x128xf32, #tpu.memory_space<hbm>> -> memref<10112x128xf32, #tpu.memory_space<hbm>>
      tpu.wait_indirect_dma semaphore(%arg14 : memref<!tpu.dma_semaphore, #tpu.memory_space<semaphore_mem>>) src(%dma_wait3A_155 : memref<10112x128xf32, #tpu.memory_space<hbm>>) dst(%arg10 : memref<128x128xf32, #tpu.memory_space<vmem>>)
      %add3A_156 = arith.constant 1 : i32
      %add3A_157 = arith.addi %mul3A_123, %add3A_156 : i32
      %dma_start3A_158 = arith.constant 0 : i32
      %dma_start3A_159 = tpu.memref_slice %arg8[%add3A_157, %dma_start3A_158] : memref<64x128xi32, #tpu.memory_space<vmem>> -> memref<1x128xi32, #tpu.memory_space<vmem>>
      %dma_start3A_160 = tpu.memref_squeeze %dma_start3A_159 : memref<1x128xi32, #tpu.memory_space<vmem>> -> memref<128xi32, #tpu.memory_space<vmem>>
      %dma_start3A_161 = arith.constant 0 : i32
      %dma_start3A_162 = arith.constant 0 : i32
      %dma_start3A_163 = tpu.memref_slice %arg11[%dma_start3A_161, %dma_start3A_162] : memref<10112x128xf32, #tpu.memory_space<vmem_shared>> -> memref<10112x128xf32, #tpu.memory_space<vmem_shared>>
      tpu.enqueue_indirect_dma source(%arg10 : memref<128x128xf32, #tpu.memory_space<vmem>>) target(%dma_start3A_163 : memref<10112x128xf32, #tpu.memory_space<vmem_shared>>) offsets(%dma_start3A_160 : memref<128xi32, #tpu.memory_space<vmem>>) semaphore(%arg16 : memref<!tpu.dma_semaphore, #tpu.memory_space<semaphore_mem>>) {add = true}
      %dma_wait3A_164 = arith.constant 0 : i32
      %dma_wait3A_165 = tpu.memref_slice %arg8[%mul3A_123, %dma_wait3A_164] : memref<64x128xi32, #tpu.memory_space<vmem>> -> memref<1x128xi32, #tpu.memory_space<vmem>>
      %dma_wait3A_166 = tpu.memref_squeeze %dma_wait3A_165 : memref<1x128xi32, #tpu.memory_space<vmem>> -> memref<128xi32, #tpu.memory_space<vmem>>
      %dma_wait3A_167 = arith.constant 0 : i32
      %dma_wait3A_168 = arith.constant 0 : i32
      %dma_wait3A_169 = tpu.memref_slice %arg11[%dma_wait3A_167, %dma_wait3A_168] : memref<10112x128xf32, #tpu.memory_space<vmem_shared>> -> memref<10112x128xf32, #tpu.memory_space<vmem_shared>>
      tpu.wait_indirect_dma semaphore(%arg15 : memref<!tpu.dma_semaphore, #tpu.memory_space<semaphore_mem>>) src(%arg9 : memref<128x128xf32, #tpu.memory_space<vmem>>) dst(%dma_wait3A_169 : memref<10112x128xf32, #tpu.memory_space<vmem_shared>>)
      %dma_wait3A_170 = arith.constant 0 : i32
      %dma_wait3A_171 = tpu.memref_slice %arg8[%add3A_157, %dma_wait3A_170] : memref<64x128xi32, #tpu.memory_space<vmem>> -> memref<1x128xi32, #tpu.memory_space<vmem>>
      %dma_wait3A_172 = tpu.memref_squeeze %dma_wait3A_171 : memref<1x128xi32, #tpu.memory_space<vmem>> -> memref<128xi32, #tpu.memory_space<vmem>>
      %dma_wait3A_173 = arith.constant 0 : i32
      %dma_wait3A_174 = arith.constant 0 : i32
      %dma_wait3A_175 = tpu.memref_slice %arg11[%dma_wait3A_173, %dma_wait3A_174] : memref<10112x128xf32, #tpu.memory_space<vmem_shared>> -> memref<10112x128xf32, #tpu.memory_space<vmem_shared>>
      tpu.wait_indirect_dma semaphore(%arg16 : memref<!tpu.dma_semaphore, #tpu.memory_space<semaphore_mem>>) src(%arg10 : memref<128x128xf32, #tpu.memory_space<vmem>>) dst(%dma_wait3A_175 : memref<10112x128xf32, #tpu.memory_space<vmem_shared>>)
      %while3A_176 = arith.constant 0 : i32
      scf.yield %while3A_176 : i32
    }
    %mul3A_77 = arith.constant 1 : i32
    %mul3A_78 = arith.muli %mul3A_77, %select_n3A_38 : i32
    %add3A_79 = arith.addi %select_n3A_20, %mul3A_78 : i32
    %multiple_of3A_80 = tpu.assume_multiple %add3A_79, 8 : i32
    "tpu.region"() ({
      %run_scoped3A = tpu.sem_alloc : memref<!tpu.dma_semaphore, #tpu.memory_space<semaphore_mem>>
      %dma_start3A_120 = arith.constant 0 : i32
      %dma_start3A_121 = tpu.memref_slice %arg3[%multiple_of3A_80, %dma_start3A_120] : memref<2592x128xi32, #tpu.memory_space<hbm>> -> memref<64x128xi32, #tpu.memory_space<hbm>>
      %dma_start3A_122 = arith.constant 0 : i32
      %dma_start3A_123 = tpu.memref_slice %arg3[%multiple_of3A_80, %dma_start3A_122] : memref<2592x128xi32, #tpu.memory_space<hbm>> -> memref<64x128xi32, #tpu.memory_space<hbm>>
      tpu.enqueue_dma source(%dma_start3A_123 : memref<64x128xi32, #tpu.memory_space<hbm>>) target(%arg7 : memref<64x128xi32, #tpu.memory_space<vmem>>) target_semaphore(%run_scoped3A : memref<!tpu.dma_semaphore, #tpu.memory_space<semaphore_mem>>)
      %dma_wait3A_124 = arith.constant 0 : i32
      %dma_wait3A_125 = tpu.memref_slice %arg3[%multiple_of3A_80, %dma_wait3A_124] : memref<2592x128xi32, #tpu.memory_space<hbm>> -> memref<64x128xi32, #tpu.memory_space<hbm>>
      %dma_wait3A_126 = arith.constant 0 : i32
      %dma_wait3A_127 = tpu.memref_slice %arg3[%multiple_of3A_80, %dma_wait3A_126] : memref<2592x128xi32, #tpu.memory_space<hbm>> -> memref<64x128xi32, #tpu.memory_space<hbm>>
      tpu.wait_dma2 semaphore(%run_scoped3A : memref<!tpu.dma_semaphore, #tpu.memory_space<semaphore_mem>>) src(%dma_wait3A_127 : memref<64x128xi32, #tpu.memory_space<hbm>>) dst(%arg7 : memref<64x128xi32, #tpu.memory_space<vmem>>)
      tpu.yield
    }) : () -> ()
    "tpu.region"() ({
      %run_scoped3A = tpu.sem_alloc : memref<!tpu.dma_semaphore, #tpu.memory_space<semaphore_mem>>
      %dma_start3A_120 = arith.constant 0 : i32
      %dma_start3A_121 = tpu.memref_slice %arg4[%multiple_of3A_80, %dma_start3A_120] : memref<2592x128xi32, #tpu.memory_space<hbm>> -> memref<64x128xi32, #tpu.memory_space<hbm>>
      %dma_start3A_122 = arith.constant 0 : i32
      %dma_start3A_123 = tpu.memref_slice %arg4[%multiple_of3A_80, %dma_start3A_122] : memref<2592x128xi32, #tpu.memory_space<hbm>> -> memref<64x128xi32, #tpu.memory_space<hbm>>
      tpu.enqueue_dma source(%dma_start3A_123 : memref<64x128xi32, #tpu.memory_space<hbm>>) target(%arg8 : memref<64x128xi32, #tpu.memory_space<vmem>>) target_semaphore(%run_scoped3A : memref<!tpu.dma_semaphore, #tpu.memory_space<semaphore_mem>>)
      %dma_wait3A_124 = arith.constant 0 : i32
      %dma_wait3A_125 = tpu.memref_slice %arg4[%multiple_of3A_80, %dma_wait3A_124] : memref<2592x128xi32, #tpu.memory_space<hbm>> -> memref<64x128xi32, #tpu.memory_space<hbm>>
      %dma_wait3A_126 = arith.constant 0 : i32
      %dma_wait3A_127 = tpu.memref_slice %arg4[%multiple_of3A_80, %dma_wait3A_126] : memref<2592x128xi32, #tpu.memory_space<hbm>> -> memref<64x128xi32, #tpu.memory_space<hbm>>
      tpu.wait_dma2 semaphore(%run_scoped3A : memref<!tpu.dma_semaphore, #tpu.memory_space<semaphore_mem>>) src(%dma_wait3A_127 : memref<64x128xi32, #tpu.memory_space<hbm>>) dst(%arg8 : memref<64x128xi32, #tpu.memory_space<vmem>>)
      tpu.yield
    }) : () -> ()
    %jit3A_81 = arith.constant 2 : i32
    %div3A_82 = arith.divsi %select_n3A_38, %jit3A_81 : i32
    %sign3A_83 = arith.constant 0 : i32
    %sign3A_84 = arith.cmpi sgt, %select_n3A_38, %sign3A_83 : i32
    %sign3A_85 = arith.extui %sign3A_84 : i1 to i32
    %sign3A_86 = arith.constant 0 : i32
    %sign3A_87 = arith.cmpi slt, %select_n3A_38, %sign3A_86 : i32
    %sign3A_88 = arith.extui %sign3A_87 : i1 to i32
    %sign3A_89 = arith.subi %sign3A_85, %sign3A_88 : i32
    %sign3A_90 = arith.constant 0 : i32
    %sign3A_91 = arith.cmpi sgt, %jit3A_81, %sign3A_90 : i32
    %sign3A_92 = arith.extui %sign3A_91 : i1 to i32
    %sign3A_93 = arith.constant 0 : i32
    %sign3A_94 = arith.cmpi slt, %jit3A_81, %sign3A_93 : i32
    %sign3A_95 = arith.extui %sign3A_94 : i1 to i32
    %sign3A_96 = arith.subi %sign3A_92, %sign3A_95 : i32
    %ne3A_97 = arith.cmpi ne, %sign3A_89, %sign3A_96 : i32
    %rem3A_98 = arith.remsi %select_n3A_38, %jit3A_81 : i32
    %ne3A_99 = arith.constant 0 : i32
    %ne3A_100 = arith.cmpi ne, %rem3A_98, %ne3A_99 : i32
    %and3A_101 = arith.andi %ne3A_97, %ne3A_100 : i1
    %sub3A_102 = arith.constant 1 : i32
    %sub3A_103 = arith.subi %div3A_82, %sub3A_102 : i32
    %select_n3A_104 = arith.select %and3A_101, %sub3A_103, %div3A_82 : i32
    %while3A_105 = arith.constant 0 : i32
    %while3A_106 = arith.constant 0 : i32
    %while3A_107 = arith.subi %select_n3A_104, %while3A_105 : i32
    %while3A_108 = arith.addi %while3A_105, %while3A_107 : i32
    %while3A_109 = arith.constant 1 : i32
    %while3A_110 = arith.divsi %while3A_107, %while3A_109 : i32
    %while3A_111 = arith.muli %while3A_110, %while3A_109 : i32
    %while3A_112 = arith.addi %while3A_105, %while3A_111 : i32
    %while3A_113 = arith.constant 1 : i32
    %while3A_114 = scf.for %while3A_120 = %while3A_105 to %while3A_112 step %while3A_113 iter_args(%while3A_121 = %while3A_106) -> (i32)  : i32 {
      %mul3A_122 = arith.constant 2 : i32
      %mul3A_123 = arith.muli %mul3A_122, %while3A_120 : i32
      %dma_start3A_124 = arith.constant 0 : i32
      %dma_start3A_125 = tpu.memref_slice %arg7[%mul3A_123, %dma_start3A_124] : memref<64x128xi32, #tpu.memory_space<vmem>> -> memref<1x128xi32, #tpu.memory_space<vmem>>
      %dma_start3A_126 = tpu.memref_squeeze %dma_start3A_125 : memref<1x128xi32, #tpu.memory_space<vmem>> -> memref<128xi32, #tpu.memory_space<vmem>>
      %dma_start3A_127 = arith.constant 0 : i32
      %dma_start3A_128 = arith.constant 0 : i32
      %dma_start3A_129 = tpu.memref_slice %arg2[%dma_start3A_127, %dma_start3A_128] : memref<10112x128xf32, #tpu.memory_space<hbm>> -> memref<10112x128xf32, #tpu.memory_space<hbm>>
      tpu.enqueue_indirect_dma source(%dma_start3A_129 : memref<10112x128xf32, #tpu.memory_space<hbm>>) target(%arg9 : memref<128x128xf32, #tpu.memory_space<vmem>>) offsets(%dma_start3A_126 : memref<128xi32, #tpu.memory_space<vmem>>) semaphore(%arg13 : memref<!tpu.dma_semaphore, #tpu.memory_space<semaphore_mem>>)
      %add3A_130 = arith.constant 1 : i32
      %add3A_131 = arith.addi %mul3A_123, %add3A_130 : i32
      %dma_start3A_132 = arith.constant 0 : i32
      %dma_start3A_133 = tpu.memref_slice %arg7[%add3A_131, %dma_start3A_132] : memref<64x128xi32, #tpu.memory_space<vmem>> -> memref<1x128xi32, #tpu.memory_space<vmem>>
      %dma_start3A_134 = tpu.memref_squeeze %dma_start3A_133 : memref<1x128xi32, #tpu.memory_space<vmem>> -> memref<128xi32, #tpu.memory_space<vmem>>
      %dma_start3A_135 = arith.constant 0 : i32
      %dma_start3A_136 = arith.constant 0 : i32
      %dma_start3A_137 = tpu.memref_slice %arg2[%dma_start3A_135, %dma_start3A_136] : memref<10112x128xf32, #tpu.memory_space<hbm>> -> memref<10112x128xf32, #tpu.memory_space<hbm>>
      tpu.enqueue_indirect_dma source(%dma_start3A_137 : memref<10112x128xf32, #tpu.memory_space<hbm>>) target(%arg10 : memref<128x128xf32, #tpu.memory_space<vmem>>) offsets(%dma_start3A_134 : memref<128xi32, #tpu.memory_space<vmem>>) semaphore(%arg14 : memref<!tpu.dma_semaphore, #tpu.memory_space<semaphore_mem>>)
      %dma_wait3A_138 = arith.constant 0 : i32
      %dma_wait3A_139 = tpu.memref_slice %arg7[%mul3A_123, %dma_wait3A_138] : memref<64x128xi32, #tpu.memory_space<vmem>> -> memref<1x128xi32, #tpu.memory_space<vmem>>
      %dma_wait3A_140 = tpu.memref_squeeze %dma_wait3A_139 : memref<1x128xi32, #tpu.memory_space<vmem>> -> memref<128xi32, #tpu.memory_space<vmem>>
      %dma_wait3A_141 = arith.constant 0 : i32
      %dma_wait3A_142 = arith.constant 0 : i32
      %dma_wait3A_143 = tpu.memref_slice %arg2[%dma_wait3A_141, %dma_wait3A_142] : memref<10112x128xf32, #tpu.memory_space<hbm>> -> memref<10112x128xf32, #tpu.memory_space<hbm>>
      tpu.wait_indirect_dma semaphore(%arg13 : memref<!tpu.dma_semaphore, #tpu.memory_space<semaphore_mem>>) src(%dma_wait3A_143 : memref<10112x128xf32, #tpu.memory_space<hbm>>) dst(%arg9 : memref<128x128xf32, #tpu.memory_space<vmem>>)
      %dma_start3A_144 = arith.constant 0 : i32
      %dma_start3A_145 = tpu.memref_slice %arg8[%mul3A_123, %dma_start3A_144] : memref<64x128xi32, #tpu.memory_space<vmem>> -> memref<1x128xi32, #tpu.memory_space<vmem>>
      %dma_start3A_146 = tpu.memref_squeeze %dma_start3A_145 : memref<1x128xi32, #tpu.memory_space<vmem>> -> memref<128xi32, #tpu.memory_space<vmem>>
      %dma_start3A_147 = arith.constant 0 : i32
      %dma_start3A_148 = arith.constant 0 : i32
      %dma_start3A_149 = tpu.memref_slice %arg11[%dma_start3A_147, %dma_start3A_148] : memref<10112x128xf32, #tpu.memory_space<vmem_shared>> -> memref<10112x128xf32, #tpu.memory_space<vmem_shared>>
      tpu.enqueue_indirect_dma source(%arg9 : memref<128x128xf32, #tpu.memory_space<vmem>>) target(%dma_start3A_149 : memref<10112x128xf32, #tpu.memory_space<vmem_shared>>) offsets(%dma_start3A_146 : memref<128xi32, #tpu.memory_space<vmem>>) semaphore(%arg15 : memref<!tpu.dma_semaphore, #tpu.memory_space<semaphore_mem>>) {add = true}
      %dma_wait3A_150 = arith.constant 0 : i32
      %dma_wait3A_151 = tpu.memref_slice %arg7[%add3A_131, %dma_wait3A_150] : memref<64x128xi32, #tpu.memory_space<vmem>> -> memref<1x128xi32, #tpu.memory_space<vmem>>
      %dma_wait3A_152 = tpu.memref_squeeze %dma_wait3A_151 : memref<1x128xi32, #tpu.memory_space<vmem>> -> memref<128xi32, #tpu.memory_space<vmem>>
      %dma_wait3A_153 = arith.constant 0 : i32
      %dma_wait3A_154 = arith.constant 0 : i32
      %dma_wait3A_155 = tpu.memref_slice %arg2[%dma_wait3A_153, %dma_wait3A_154] : memref<10112x128xf32, #tpu.memory_space<hbm>> -> memref<10112x128xf32, #tpu.memory_space<hbm>>
      tpu.wait_indirect_dma semaphore(%arg14 : memref<!tpu.dma_semaphore, #tpu.memory_space<semaphore_mem>>) src(%dma_wait3A_155 : memref<10112x128xf32, #tpu.memory_space<hbm>>) dst(%arg10 : memref<128x128xf32, #tpu.memory_space<vmem>>)
      %add3A_156 = arith.constant 1 : i32
      %add3A_157 = arith.addi %mul3A_123, %add3A_156 : i32
      %dma_start3A_158 = arith.constant 0 : i32
      %dma_start3A_159 = tpu.memref_slice %arg8[%add3A_157, %dma_start3A_158] : memref<64x128xi32, #tpu.memory_space<vmem>> -> memref<1x128xi32, #tpu.memory_space<vmem>>
      %dma_start3A_160 = tpu.memref_squeeze %dma_start3A_159 : memref<1x128xi32, #tpu.memory_space<vmem>> -> memref<128xi32, #tpu.memory_space<vmem>>
      %dma_start3A_161 = arith.constant 0 : i32
      %dma_start3A_162 = arith.constant 0 : i32
      %dma_start3A_163 = tpu.memref_slice %arg11[%dma_start3A_161, %dma_start3A_162] : memref<10112x128xf32, #tpu.memory_space<vmem_shared>> -> memref<10112x128xf32, #tpu.memory_space<vmem_shared>>
      tpu.enqueue_indirect_dma source(%arg10 : memref<128x128xf32, #tpu.memory_space<vmem>>) target(%dma_start3A_163 : memref<10112x128xf32, #tpu.memory_space<vmem_shared>>) offsets(%dma_start3A_160 : memref<128xi32, #tpu.memory_space<vmem>>) semaphore(%arg16 : memref<!tpu.dma_semaphore, #tpu.memory_space<semaphore_mem>>) {add = true}
      %dma_wait3A_164 = arith.constant 0 : i32
      %dma_wait3A_165 = tpu.memref_slice %arg8[%mul3A_123, %dma_wait3A_164] : memref<64x128xi32, #tpu.memory_space<vmem>> -> memref<1x128xi32, #tpu.memory_space<vmem>>
      %dma_wait3A_166 = tpu.memref_squeeze %dma_wait3A_165 : memref<1x128xi32, #tpu.memory_space<vmem>> -> memref<128xi32, #tpu.memory_space<vmem>>
      %dma_wait3A_167 = arith.constant 0 : i32
      %dma_wait3A_168 = arith.constant 0 : i32
      %dma_wait3A_169 = tpu.memref_slice %arg11[%dma_wait3A_167, %dma_wait3A_168] : memref<10112x128xf32, #tpu.memory_space<vmem_shared>> -> memref<10112x128xf32, #tpu.memory_space<vmem_shared>>
      tpu.wait_indirect_dma semaphore(%arg15 : memref<!tpu.dma_semaphore, #tpu.memory_space<semaphore_mem>>) src(%arg9 : memref<128x128xf32, #tpu.memory_space<vmem>>) dst(%dma_wait3A_169 : memref<10112x128xf32, #tpu.memory_space<vmem_shared>>)
      %dma_wait3A_170 = arith.constant 0 : i32
      %dma_wait3A_171 = tpu.memref_slice %arg8[%add3A_157, %dma_wait3A_170] : memref<64x128xi32, #tpu.memory_space<vmem>> -> memref<1x128xi32, #tpu.memory_space<vmem>>
      %dma_wait3A_172 = tpu.memref_squeeze %dma_wait3A_171 : memref<1x128xi32, #tpu.memory_space<vmem>> -> memref<128xi32, #tpu.memory_space<vmem>>
      %dma_wait3A_173 = arith.constant 0 : i32
      %dma_wait3A_174 = arith.constant 0 : i32
      %dma_wait3A_175 = tpu.memref_slice %arg11[%dma_wait3A_173, %dma_wait3A_174] : memref<10112x128xf32, #tpu.memory_space<vmem_shared>> -> memref<10112x128xf32, #tpu.memory_space<vmem_shared>>
      tpu.wait_indirect_dma semaphore(%arg16 : memref<!tpu.dma_semaphore, #tpu.memory_space<semaphore_mem>>) src(%arg10 : memref<128x128xf32, #tpu.memory_space<vmem>>) dst(%dma_wait3A_175 : memref<10112x128xf32, #tpu.memory_space<vmem_shared>>)
      %while3A_176 = arith.constant 0 : i32
      scf.yield %while3A_176 : i32
    }
    %while3A_115 = arith.constant 1 : i32
    %while3A_116 = scf.for %while3A_120 = %while3A_112 to %while3A_108 step %while3A_115 iter_args(%while3A_121 = %while3A_114) -> (i32)  : i32 {
      %mul3A_122 = arith.constant 2 : i32
      %mul3A_123 = arith.muli %mul3A_122, %while3A_120 : i32
      %dma_start3A_124 = arith.constant 0 : i32
      %dma_start3A_125 = tpu.memref_slice %arg7[%mul3A_123, %dma_start3A_124] : memref<64x128xi32, #tpu.memory_space<vmem>> -> memref<1x128xi32, #tpu.memory_space<vmem>>
      %dma_start3A_126 = tpu.memref_squeeze %dma_start3A_125 : memref<1x128xi32, #tpu.memory_space<vmem>> -> memref<128xi32, #tpu.memory_space<vmem>>
      %dma_start3A_127 = arith.constant 0 : i32
      %dma_start3A_128 = arith.constant 0 : i32
      %dma_start3A_129 = tpu.memref_slice %arg2[%dma_start3A_127, %dma_start3A_128] : memref<10112x128xf32, #tpu.memory_space<hbm>> -> memref<10112x128xf32, #tpu.memory_space<hbm>>
      tpu.enqueue_indirect_dma source(%dma_start3A_129 : memref<10112x128xf32, #tpu.memory_space<hbm>>) target(%arg9 : memref<128x128xf32, #tpu.memory_space<vmem>>) offsets(%dma_start3A_126 : memref<128xi32, #tpu.memory_space<vmem>>) semaphore(%arg13 : memref<!tpu.dma_semaphore, #tpu.memory_space<semaphore_mem>>)
      %add3A_130 = arith.constant 1 : i32
      %add3A_131 = arith.addi %mul3A_123, %add3A_130 : i32
      %dma_start3A_132 = arith.constant 0 : i32
      %dma_start3A_133 = tpu.memref_slice %arg7[%add3A_131, %dma_start3A_132] : memref<64x128xi32, #tpu.memory_space<vmem>> -> memref<1x128xi32, #tpu.memory_space<vmem>>
      %dma_start3A_134 = tpu.memref_squeeze %dma_start3A_133 : memref<1x128xi32, #tpu.memory_space<vmem>> -> memref<128xi32, #tpu.memory_space<vmem>>
      %dma_start3A_135 = arith.constant 0 : i32
      %dma_start3A_136 = arith.constant 0 : i32
      %dma_start3A_137 = tpu.memref_slice %arg2[%dma_start3A_135, %dma_start3A_136] : memref<10112x128xf32, #tpu.memory_space<hbm>> -> memref<10112x128xf32, #tpu.memory_space<hbm>>
      tpu.enqueue_indirect_dma source(%dma_start3A_137 : memref<10112x128xf32, #tpu.memory_space<hbm>>) target(%arg10 : memref<128x128xf32, #tpu.memory_space<vmem>>) offsets(%dma_start3A_134 : memref<128xi32, #tpu.memory_space<vmem>>) semaphore(%arg14 : memref<!tpu.dma_semaphore, #tpu.memory_space<semaphore_mem>>)
      %dma_wait3A_138 = arith.constant 0 : i32
      %dma_wait3A_139 = tpu.memref_slice %arg7[%mul3A_123, %dma_wait3A_138] : memref<64x128xi32, #tpu.memory_space<vmem>> -> memref<1x128xi32, #tpu.memory_space<vmem>>
      %dma_wait3A_140 = tpu.memref_squeeze %dma_wait3A_139 : memref<1x128xi32, #tpu.memory_space<vmem>> -> memref<128xi32, #tpu.memory_space<vmem>>
      %dma_wait3A_141 = arith.constant 0 : i32
      %dma_wait3A_142 = arith.constant 0 : i32
      %dma_wait3A_143 = tpu.memref_slice %arg2[%dma_wait3A_141, %dma_wait3A_142] : memref<10112x128xf32, #tpu.memory_space<hbm>> -> memref<10112x128xf32, #tpu.memory_space<hbm>>
      tpu.wait_indirect_dma semaphore(%arg13 : memref<!tpu.dma_semaphore, #tpu.memory_space<semaphore_mem>>) src(%dma_wait3A_143 : memref<10112x128xf32, #tpu.memory_space<hbm>>) dst(%arg9 : memref<128x128xf32, #tpu.memory_space<vmem>>)
      %dma_start3A_144 = arith.constant 0 : i32
      %dma_start3A_145 = tpu.memref_slice %arg8[%mul3A_123, %dma_start3A_144] : memref<64x128xi32, #tpu.memory_space<vmem>> -> memref<1x128xi32, #tpu.memory_space<vmem>>
      %dma_start3A_146 = tpu.memref_squeeze %dma_start3A_145 : memref<1x128xi32, #tpu.memory_space<vmem>> -> memref<128xi32, #tpu.memory_space<vmem>>
      %dma_start3A_147 = arith.constant 0 : i32
      %dma_start3A_148 = arith.constant 0 : i32
      %dma_start3A_149 = tpu.memref_slice %arg11[%dma_start3A_147, %dma_start3A_148] : memref<10112x128xf32, #tpu.memory_space<vmem_shared>> -> memref<10112x128xf32, #tpu.memory_space<vmem_shared>>
      tpu.enqueue_indirect_dma source(%arg9 : memref<128x128xf32, #tpu.memory_space<vmem>>) target(%dma_start3A_149 : memref<10112x128xf32, #tpu.memory_space<vmem_shared>>) offsets(%dma_start3A_146 : memref<128xi32, #tpu.memory_space<vmem>>) semaphore(%arg15 : memref<!tpu.dma_semaphore, #tpu.memory_space<semaphore_mem>>) {add = true}
      %dma_wait3A_150 = arith.constant 0 : i32
      %dma_wait3A_151 = tpu.memref_slice %arg7[%add3A_131, %dma_wait3A_150] : memref<64x128xi32, #tpu.memory_space<vmem>> -> memref<1x128xi32, #tpu.memory_space<vmem>>
      %dma_wait3A_152 = tpu.memref_squeeze %dma_wait3A_151 : memref<1x128xi32, #tpu.memory_space<vmem>> -> memref<128xi32, #tpu.memory_space<vmem>>
      %dma_wait3A_153 = arith.constant 0 : i32
      %dma_wait3A_154 = arith.constant 0 : i32
      %dma_wait3A_155 = tpu.memref_slice %arg2[%dma_wait3A_153, %dma_wait3A_154] : memref<10112x128xf32, #tpu.memory_space<hbm>> -> memref<10112x128xf32, #tpu.memory_space<hbm>>
      tpu.wait_indirect_dma semaphore(%arg14 : memref<!tpu.dma_semaphore, #tpu.memory_space<semaphore_mem>>) src(%dma_wait3A_155 : memref<10112x128xf32, #tpu.memory_space<hbm>>) dst(%arg10 : memref<128x128xf32, #tpu.memory_space<vmem>>)
      %add3A_156 = arith.constant 1 : i32
      %add3A_157 = arith.addi %mul3A_123, %add3A_156 : i32
      %dma_start3A_158 = arith.constant 0 : i32
      %dma_start3A_159 = tpu.memref_slice %arg8[%add3A_157, %dma_start3A_158] : memref<64x128xi32, #tpu.memory_space<vmem>> -> memref<1x128xi32, #tpu.memory_space<vmem>>
      %dma_start3A_160 = tpu.memref_squeeze %dma_start3A_159 : memref<1x128xi32, #tpu.memory_space<vmem>> -> memref<128xi32, #tpu.memory_space<vmem>>
      %dma_start3A_161 = arith.constant 0 : i32
      %dma_start3A_162 = arith.constant 0 : i32
      %dma_start3A_163 = tpu.memref_slice %arg11[%dma_start3A_161, %dma_start3A_162] : memref<10112x128xf32, #tpu.memory_space<vmem_shared>> -> memref<10112x128xf32, #tpu.memory_space<vmem_shared>>
      tpu.enqueue_indirect_dma source(%arg10 : memref<128x128xf32, #tpu.memory_space<vmem>>) target(%dma_start3A_163 : memref<10112x128xf32, #tpu.memory_space<vmem_shared>>) offsets(%dma_start3A_160 : memref<128xi32, #tpu.memory_space<vmem>>) semaphore(%arg16 : memref<!tpu.dma_semaphore, #tpu.memory_space<semaphore_mem>>) {add = true}
      %dma_wait3A_164 = arith.constant 0 : i32
      %dma_wait3A_165 = tpu.memref_slice %arg8[%mul3A_123, %dma_wait3A_164] : memref<64x128xi32, #tpu.memory_space<vmem>> -> memref<1x128xi32, #tpu.memory_space<vmem>>
      %dma_wait3A_166 = tpu.memref_squeeze %dma_wait3A_165 : memref<1x128xi32, #tpu.memory_space<vmem>> -> memref<128xi32, #tpu.memory_space<vmem>>
      %dma_wait3A_167 = arith.constant 0 : i32
      %dma_wait3A_168 = arith.constant 0 : i32
      %dma_wait3A_169 = tpu.memref_slice %arg11[%dma_wait3A_167, %dma_wait3A_168] : memref<10112x128xf32, #tpu.memory_space<vmem_shared>> -> memref<10112x128xf32, #tpu.memory_space<vmem_shared>>
      tpu.wait_indirect_dma semaphore(%arg15 : memref<!tpu.dma_semaphore, #tpu.memory_space<semaphore_mem>>) src(%arg9 : memref<128x128xf32, #tpu.memory_space<vmem>>) dst(%dma_wait3A_169 : memref<10112x128xf32, #tpu.memory_space<vmem_shared>>)
      %dma_wait3A_170 = arith.constant 0 : i32
      %dma_wait3A_171 = tpu.memref_slice %arg8[%add3A_157, %dma_wait3A_170] : memref<64x128xi32, #tpu.memory_space<vmem>> -> memref<1x128xi32, #tpu.memory_space<vmem>>
      %dma_wait3A_172 = tpu.memref_squeeze %dma_wait3A_171 : memref<1x128xi32, #tpu.memory_space<vmem>> -> memref<128xi32, #tpu.memory_space<vmem>>
      %dma_wait3A_173 = arith.constant 0 : i32
      %dma_wait3A_174 = arith.constant 0 : i32
      %dma_wait3A_175 = tpu.memref_slice %arg11[%dma_wait3A_173, %dma_wait3A_174] : memref<10112x128xf32, #tpu.memory_space<vmem_shared>> -> memref<10112x128xf32, #tpu.memory_space<vmem_shared>>
      tpu.wait_indirect_dma semaphore(%arg16 : memref<!tpu.dma_semaphore, #tpu.memory_space<semaphore_mem>>) src(%arg10 : memref<128x128xf32, #tpu.memory_space<vmem>>) dst(%dma_wait3A_175 : memref<10112x128xf32, #tpu.memory_space<vmem_shared>>)
      %while3A_176 = arith.constant 0 : i32
      scf.yield %while3A_176 : i32
    }
    %barrier3A_117 = arith.constant 0 : index
    tpu.barrier barrier_id(%barrier3A_117)
    %delay3A_118 = arith.constant 4000 : i32
    tpu.delay %delay3A_118
    %barrier3A_119 = arith.constant 0 : index
    tpu.barrier barrier_id(%barrier3A_119)
    "tpu.region"() ({
      %run_scoped3A = tpu.sem_alloc : memref<!tpu.dma_semaphore, #tpu.memory_space<semaphore_mem>>
      %dma_start3A_120 = arith.constant 0 : i32
      %dma_start3A_121 = tpu.memref_slice %arg6[%arg0, %mul3A_2, %dma_start3A_120] : memref<2x10112x128xf32, #tpu.memory_space<hbm>> -> memref<1x632x128xf32, #tpu.memory_space<hbm>>
      %dma_start3A_122 = tpu.memref_squeeze %dma_start3A_121 : memref<1x632x128xf32, #tpu.memory_space<hbm>> -> memref<632x128xf32, #tpu.memory_space<hbm>>
      %dma_start3A_123 = arith.constant 0 : i32
      %dma_start3A_124 = tpu.memref_slice %arg11[%mul3A_2, %dma_start3A_123] : memref<10112x128xf32, #tpu.memory_space<vmem_shared>> -> memref<632x128xf32, #tpu.memory_space<vmem_shared>>
      tpu.enqueue_dma source(%dma_start3A_124 : memref<632x128xf32, #tpu.memory_space<vmem_shared>>) target(%dma_start3A_122 : memref<632x128xf32, #tpu.memory_space<hbm>>) target_semaphore(%run_scoped3A : memref<!tpu.dma_semaphore, #tpu.memory_space<semaphore_mem>>)
      %dma_wait3A_125 = arith.constant 0 : i32
      %dma_wait3A_126 = tpu.memref_slice %arg6[%arg0, %mul3A_2, %dma_wait3A_125] : memref<2x10112x128xf32, #tpu.memory_space<hbm>> -> memref<1x632x128xf32, #tpu.memory_space<hbm>>
      %dma_wait3A_127 = tpu.memref_squeeze %dma_wait3A_126 : memref<1x632x128xf32, #tpu.memory_space<hbm>> -> memref<632x128xf32, #tpu.memory_space<hbm>>
      %dma_wait3A_128 = arith.constant 0 : i32
      %dma_wait3A_129 = tpu.memref_slice %arg11[%mul3A_2, %dma_wait3A_128] : memref<10112x128xf32, #tpu.memory_space<vmem_shared>> -> memref<632x128xf32, #tpu.memory_space<vmem_shared>>
      tpu.wait_dma2 semaphore(%run_scoped3A : memref<!tpu.dma_semaphore, #tpu.memory_space<semaphore_mem>>) src(%dma_wait3A_129 : memref<632x128xf32, #tpu.memory_space<vmem_shared>>) dst(%dma_wait3A_127 : memref<632x128xf32, #tpu.memory_space<hbm>>)
      tpu.yield
    }) : () -> ()
    return
  }
}

#map = affine_map<(d0, d1) -> (0, 0)>
#map1 = affine_map<(d0, d1) -> (0, 0, 0)>
module attributes {stable_mosaic.version = 14 : i64} {
  func.func @_scatter_body(%arg0: i32, %arg1: i32, %arg2: memref<10112x128xf32, #tpu.memory_space<hbm>>, %arg3: memref<2592x128xi32, #tpu.memory_space<hbm>>, %arg4: memref<2592x128xi32, #tpu.memory_space<hbm>>, %arg5: memref<10112x128xf32, #tpu.memory_space<hbm>>, %arg6: memref<2x10112x128xf32, #tpu.memory_space<hbm>>, %arg7: memref<64x128xi32, #tpu.memory_space<vmem>>, %arg8: memref<64x128xi32, #tpu.memory_space<vmem>>, %arg9: memref<128x128xf32, #tpu.memory_space<vmem>>, %arg10: memref<128x128xf32, #tpu.memory_space<vmem>>, %arg11: memref<10112x128xf32, #tpu.memory_space<vmem_shared>>, %arg12: memref<!tpu.dma_semaphore, #tpu.memory_space<semaphore_mem>>, %arg13: memref<!tpu.dma_semaphore, #tpu.memory_space<semaphore_mem>>, %arg14: memref<!tpu.dma_semaphore, #tpu.memory_space<semaphore_mem>>, %arg15: memref<!tpu.dma_semaphore, #tpu.memory_space<semaphore_mem>>, %arg16: memref<!tpu.dma_semaphore, #tpu.memory_space<semaphore_mem>>) attributes {dimension_semantics = [#tpu.dimension_semantics<core_parallel>, #tpu.dimension_semantics<subcore_parallel>], iteration_bounds = array<i64: 2, 16>, scalar_prefetch = 0 : i64, scratch_operands = 10 : i64, tpu.core_type = #tpu.core_type<sc_vector_subcore>, window_params = [{transform_indices = #map}, {transform_indices = #map}, {transform_indices = #map}, {transform_indices = #map}, {transform_indices = #map1}]} {
    %mul3A = arith.constant 2 : i32
    %mul3A_0 = arith.muli %arg1, %mul3A : i32
    %add3A = arith.addi %mul3A_0, %arg0 : i32
    %mul3A_1 = arith.constant 632 : i32
    %mul3A_2 = arith.muli %arg1, %mul3A_1 : i32
    %dma_start3A = arith.constant 0 : i32
    %dma_start3A_3 = tpu.memref_slice %arg11[%mul3A_2, %dma_start3A] : memref<10112x128xf32, #tpu.memory_space<vmem_shared>> -> memref<632x128xf32, #tpu.memory_space<vmem_shared>>
    %dma_start3A_4 = arith.constant 0 : i32
    %dma_start3A_5 = tpu.memref_slice %arg5[%mul3A_2, %dma_start3A_4] : memref<10112x128xf32, #tpu.memory_space<hbm>> -> memref<632x128xf32, #tpu.memory_space<hbm>>
    tpu.enqueue_dma source(%dma_start3A_5 : memref<632x128xf32, #tpu.memory_space<hbm>>) target(%dma_start3A_3 : memref<632x128xf32, #tpu.memory_space<vmem_shared>>) target_semaphore(%arg12 : memref<!tpu.dma_semaphore, #tpu.memory_space<semaphore_mem>>)
    %dma_wait3A = arith.constant 0 : i32
    %dma_wait3A_6 = tpu.memref_slice %arg11[%mul3A_2, %dma_wait3A] : memref<10112x128xf32, #tpu.memory_space<vmem_shared>> -> memref<632x128xf32, #tpu.memory_space<vmem_shared>>
    %dma_wait3A_7 = arith.constant 0 : i32
    %dma_wait3A_8 = tpu.memref_slice %arg5[%mul3A_2, %dma_wait3A_7] : memref<10112x128xf32, #tpu.memory_space<hbm>> -> memref<632x128xf32, #tpu.memory_space<hbm>>
    tpu.wait_dma2 semaphore(%arg12 : memref<!tpu.dma_semaphore, #tpu.memory_space<semaphore_mem>>) src(%dma_wait3A_8 : memref<632x128xf32, #tpu.memory_space<hbm>>) dst(%dma_wait3A_6 : memref<632x128xf32, #tpu.memory_space<vmem_shared>>)
    %barrier3A = arith.constant 0 : index
    tpu.barrier barrier_id(%barrier3A)
    %delay3A = arith.constant 8000 : i32
    tpu.delay %delay3A
    %barrier3A_9 = arith.constant 0 : index
    tpu.barrier barrier_id(%barrier3A_9)
    %eq3A = arith.constant 0 : i32
    %eq3A_10 = arith.cmpi eq, %arg0, %eq3A : i32
    %jit3A = arith.constant 128 : i32
    %jit3A_11 = arith.constant 32 : i32
    %select_n3A = arith.select %eq3A_10, %jit3A, %jit3A_11 : i32
    %eq3A_12 = arith.constant 0 : i32
    %eq3A_13 = arith.cmpi eq, %arg0, %eq3A_12 : i32
    %mul3A_14 = arith.constant 128 : i32
    %mul3A_15 = arith.muli %arg1, %mul3A_14 : i32
    %mul3A_16 = arith.constant 32 : i32
    %mul3A_17 = arith.muli %arg1, %mul3A_16 : i32
    %add3A_18 = arith.constant 2048 : i32
    %add3A_19 = arith.addi %add3A_18, %mul3A_17 : i32
    %select_n3A_20 = arith.select %eq3A_13, %mul3A_15, %add3A_19 : i32
    %jit3A_21 = arith.constant 2 : i32
    %div3A = arith.divsi %select_n3A, %jit3A_21 : i32
    %sign3A = arith.constant 0 : i32
    %sign3A_22 = arith.cmpi sgt, %select_n3A, %sign3A : i32
    %sign3A_23 = arith.extui %sign3A_22 : i1 to i32
    %sign3A_24 = arith.constant 0 : i32
    %sign3A_25 = arith.cmpi slt, %select_n3A, %sign3A_24 : i32
    %sign3A_26 = arith.extui %sign3A_25 : i1 to i32
    %sign3A_27 = arith.subi %sign3A_23, %sign3A_26 : i32
    %sign3A_28 = arith.constant 0 : i32
    %sign3A_29 = arith.cmpi sgt, %jit3A_21, %sign3A_28 : i32
    %sign3A_30 = arith.extui %sign3A_29 : i1 to i32
    %sign3A_31 = arith.constant 0 : i32
    %sign3A_32 = arith.cmpi slt, %jit3A_21, %sign3A_31 : i32
    %sign3A_33 = arith.extui %sign3A_32 : i1 to i32
    %sign3A_34 = arith.subi %sign3A_30, %sign3A_33 : i32
    %ne3A = arith.cmpi ne, %sign3A_27, %sign3A_34 : i32
    %rem3A = arith.remsi %select_n3A, %jit3A_21 : i32
    %ne3A_35 = arith.constant 0 : i32
    %ne3A_36 = arith.cmpi ne, %rem3A, %ne3A_35 : i32
    %and3A = arith.andi %ne3A, %ne3A_36 : i1
    %sub3A = arith.constant 1 : i32
    %sub3A_37 = arith.subi %div3A, %sub3A : i32
    %select_n3A_38 = arith.select %and3A, %sub3A_37, %div3A : i32
    %mul3A_39 = arith.constant 0 : i32
    %mul3A_40 = arith.muli %mul3A_39, %select_n3A_38 : i32
    %add3A_41 = arith.addi %select_n3A_20, %mul3A_40 : i32
    %multiple_of3A = tpu.assume_multiple %add3A_41, 8 : i32
    "tpu.region"() ({
      %run_scoped3A = tpu.sem_alloc : memref<!tpu.dma_semaphore, #tpu.memory_space<semaphore_mem>>
      %dma_start3A_120 = arith.constant 0 : i32
      %dma_start3A_121 = tpu.memref_slice %arg3[%multiple_of3A, %dma_start3A_120] : memref<2592x128xi32, #tpu.memory_space<hbm>> -> memref<64x128xi32, #tpu.memory_space<hbm>>
      %dma_start3A_122 = arith.constant 0 : i32
      %dma_start3A_123 = tpu.memref_slice %arg3[%multiple_of3A, %dma_start3A_122] : memref<2592x128xi32, #tpu.memory_space<hbm>> -> memref<64x128xi32, #tpu.memory_space<hbm>>
      tpu.enqueue_dma source(%dma_start3A_123 : memref<64x128xi32, #tpu.memory_space<hbm>>) target(%arg7 : memref<64x128xi32, #tpu.memory_space<vmem>>) target_semaphore(%run_scoped3A : memref<!tpu.dma_semaphore, #tpu.memory_space<semaphore_mem>>)
      %dma_wait3A_124 = arith.constant 0 : i32
      %dma_wait3A_125 = tpu.memref_slice %arg3[%multiple_of3A, %dma_wait3A_124] : memref<2592x128xi32, #tpu.memory_space<hbm>> -> memref<64x128xi32, #tpu.memory_space<hbm>>
      %dma_wait3A_126 = arith.constant 0 : i32
      %dma_wait3A_127 = tpu.memref_slice %arg3[%multiple_of3A, %dma_wait3A_126] : memref<2592x128xi32, #tpu.memory_space<hbm>> -> memref<64x128xi32, #tpu.memory_space<hbm>>
      tpu.wait_dma2 semaphore(%run_scoped3A : memref<!tpu.dma_semaphore, #tpu.memory_space<semaphore_mem>>) src(%dma_wait3A_127 : memref<64x128xi32, #tpu.memory_space<hbm>>) dst(%arg7 : memref<64x128xi32, #tpu.memory_space<vmem>>)
      tpu.yield
    }) : () -> ()
    "tpu.region"() ({
      %run_scoped3A = tpu.sem_alloc : memref<!tpu.dma_semaphore, #tpu.memory_space<semaphore_mem>>
      %dma_start3A_120 = arith.constant 0 : i32
      %dma_start3A_121 = tpu.memref_slice %arg4[%multiple_of3A, %dma_start3A_120] : memref<2592x128xi32, #tpu.memory_space<hbm>> -> memref<64x128xi32, #tpu.memory_space<hbm>>
      %dma_start3A_122 = arith.constant 0 : i32
      %dma_start3A_123 = tpu.memref_slice %arg4[%multiple_of3A, %dma_start3A_122] : memref<2592x128xi32, #tpu.memory_space<hbm>> -> memref<64x128xi32, #tpu.memory_space<hbm>>
      tpu.enqueue_dma source(%dma_start3A_123 : memref<64x128xi32, #tpu.memory_space<hbm>>) target(%arg8 : memref<64x128xi32, #tpu.memory_space<vmem>>) target_semaphore(%run_scoped3A : memref<!tpu.dma_semaphore, #tpu.memory_space<semaphore_mem>>)
      %dma_wait3A_124 = arith.constant 0 : i32
      %dma_wait3A_125 = tpu.memref_slice %arg4[%multiple_of3A, %dma_wait3A_124] : memref<2592x128xi32, #tpu.memory_space<hbm>> -> memref<64x128xi32, #tpu.memory_space<hbm>>
      %dma_wait3A_126 = arith.constant 0 : i32
      %dma_wait3A_127 = tpu.memref_slice %arg4[%multiple_of3A, %dma_wait3A_126] : memref<2592x128xi32, #tpu.memory_space<hbm>> -> memref<64x128xi32, #tpu.memory_space<hbm>>
      tpu.wait_dma2 semaphore(%run_scoped3A : memref<!tpu.dma_semaphore, #tpu.memory_space<semaphore_mem>>) src(%dma_wait3A_127 : memref<64x128xi32, #tpu.memory_space<hbm>>) dst(%arg8 : memref<64x128xi32, #tpu.memory_space<vmem>>)
      tpu.yield
    }) : () -> ()
    %jit3A_42 = arith.constant 2 : i32
    %div3A_43 = arith.divsi %select_n3A_38, %jit3A_42 : i32
    %sign3A_44 = arith.constant 0 : i32
    %sign3A_45 = arith.cmpi sgt, %select_n3A_38, %sign3A_44 : i32
    %sign3A_46 = arith.extui %sign3A_45 : i1 to i32
    %sign3A_47 = arith.constant 0 : i32
    %sign3A_48 = arith.cmpi slt, %select_n3A_38, %sign3A_47 : i32
    %sign3A_49 = arith.extui %sign3A_48 : i1 to i32
    %sign3A_50 = arith.subi %sign3A_46, %sign3A_49 : i32
    %sign3A_51 = arith.constant 0 : i32
    %sign3A_52 = arith.cmpi sgt, %jit3A_42, %sign3A_51 : i32
    %sign3A_53 = arith.extui %sign3A_52 : i1 to i32
    %sign3A_54 = arith.constant 0 : i32
    %sign3A_55 = arith.cmpi slt, %jit3A_42, %sign3A_54 : i32
    %sign3A_56 = arith.extui %sign3A_55 : i1 to i32
    %sign3A_57 = arith.subi %sign3A_53, %sign3A_56 : i32
    %ne3A_58 = arith.cmpi ne, %sign3A_50, %sign3A_57 : i32
    %rem3A_59 = arith.remsi %select_n3A_38, %jit3A_42 : i32
    %ne3A_60 = arith.constant 0 : i32
    %ne3A_61 = arith.cmpi ne, %rem3A_59, %ne3A_60 : i32
    %and3A_62 = arith.andi %ne3A_58, %ne3A_61 : i1
    %sub3A_63 = arith.constant 1 : i32
    %sub3A_64 = arith.subi %div3A_43, %sub3A_63 : i32
    %select_n3A_65 = arith.select %and3A_62, %sub3A_64, %div3A_43 : i32
    %while3A = arith.constant 0 : i32
    %while3A_66 = arith.constant 0 : i32
    %while3A_67 = arith.subi %select_n3A_65, %while3A : i32
    %while3A_68 = arith.addi %while3A, %while3A_67 : i32
    %while3A_69 = arith.constant 1 : i32
    %while3A_70 = arith.divsi %while3A_67, %while3A_69 : i32
    %while3A_71 = arith.muli %while3A_70, %while3A_69 : i32
    %while3A_72 = arith.addi %while3A, %while3A_71 : i32
    %while3A_73 = arith.constant 1 : i32
    %while3A_74 = scf.for %while3A_120 = %while3A to %while3A_72 step %while3A_73 iter_args(%while3A_121 = %while3A_66) -> (i32)  : i32 {
      %mul3A_122 = arith.constant 2 : i32
      %mul3A_123 = arith.muli %mul3A_122, %while3A_120 : i32
      %dma_start3A_124 = arith.constant 0 : i32
      %dma_start3A_125 = tpu.memref_slice %arg7[%mul3A_123, %dma_start3A_124] : memref<64x128xi32, #tpu.memory_space<vmem>> -> memref<1x128xi32, #tpu.memory_space<vmem>>
      %dma_start3A_126 = tpu.memref_squeeze %dma_start3A_125 : memref<1x128xi32, #tpu.memory_space<vmem>> -> memref<128xi32, #tpu.memory_space<vmem>>
      %dma_start3A_127 = arith.constant 0 : i32
      %dma_start3A_128 = arith.constant 0 : i32
      %dma_start3A_129 = tpu.memref_slice %arg2[%dma_start3A_127, %dma_start3A_128] : memref<10112x128xf32, #tpu.memory_space<hbm>> -> memref<10112x128xf32, #tpu.memory_space<hbm>>
      tpu.enqueue_indirect_dma source(%dma_start3A_129 : memref<10112x128xf32, #tpu.memory_space<hbm>>) target(%arg9 : memref<128x128xf32, #tpu.memory_space<vmem>>) offsets(%dma_start3A_126 : memref<128xi32, #tpu.memory_space<vmem>>) semaphore(%arg13 : memref<!tpu.dma_semaphore, #tpu.memory_space<semaphore_mem>>)
      %add3A_130 = arith.constant 1 : i32
      %add3A_131 = arith.addi %mul3A_123, %add3A_130 : i32
      %dma_start3A_132 = arith.constant 0 : i32
      %dma_start3A_133 = tpu.memref_slice %arg7[%add3A_131, %dma_start3A_132] : memref<64x128xi32, #tpu.memory_space<vmem>> -> memref<1x128xi32, #tpu.memory_space<vmem>>
      %dma_start3A_134 = tpu.memref_squeeze %dma_start3A_133 : memref<1x128xi32, #tpu.memory_space<vmem>> -> memref<128xi32, #tpu.memory_space<vmem>>
      %dma_start3A_135 = arith.constant 0 : i32
      %dma_start3A_136 = arith.constant 0 : i32
      %dma_start3A_137 = tpu.memref_slice %arg2[%dma_start3A_135, %dma_start3A_136] : memref<10112x128xf32, #tpu.memory_space<hbm>> -> memref<10112x128xf32, #tpu.memory_space<hbm>>
      tpu.enqueue_indirect_dma source(%dma_start3A_137 : memref<10112x128xf32, #tpu.memory_space<hbm>>) target(%arg10 : memref<128x128xf32, #tpu.memory_space<vmem>>) offsets(%dma_start3A_134 : memref<128xi32, #tpu.memory_space<vmem>>) semaphore(%arg14 : memref<!tpu.dma_semaphore, #tpu.memory_space<semaphore_mem>>)
      %dma_wait3A_138 = arith.constant 0 : i32
      %dma_wait3A_139 = tpu.memref_slice %arg7[%mul3A_123, %dma_wait3A_138] : memref<64x128xi32, #tpu.memory_space<vmem>> -> memref<1x128xi32, #tpu.memory_space<vmem>>
      %dma_wait3A_140 = tpu.memref_squeeze %dma_wait3A_139 : memref<1x128xi32, #tpu.memory_space<vmem>> -> memref<128xi32, #tpu.memory_space<vmem>>
      %dma_wait3A_141 = arith.constant 0 : i32
      %dma_wait3A_142 = arith.constant 0 : i32
      %dma_wait3A_143 = tpu.memref_slice %arg2[%dma_wait3A_141, %dma_wait3A_142] : memref<10112x128xf32, #tpu.memory_space<hbm>> -> memref<10112x128xf32, #tpu.memory_space<hbm>>
      tpu.wait_indirect_dma semaphore(%arg13 : memref<!tpu.dma_semaphore, #tpu.memory_space<semaphore_mem>>) src(%dma_wait3A_143 : memref<10112x128xf32, #tpu.memory_space<hbm>>) dst(%arg9 : memref<128x128xf32, #tpu.memory_space<vmem>>)
      %dma_start3A_144 = arith.constant 0 : i32
      %dma_start3A_145 = tpu.memref_slice %arg8[%mul3A_123, %dma_start3A_144] : memref<64x128xi32, #tpu.memory_space<vmem>> -> memref<1x128xi32, #tpu.memory_space<vmem>>
      %dma_start3A_146 = tpu.memref_squeeze %dma_start3A_145 : memref<1x128xi32, #tpu.memory_space<vmem>> -> memref<128xi32, #tpu.memory_space<vmem>>
      %dma_start3A_147 = arith.constant 0 : i32
      %dma_start3A_148 = arith.constant 0 : i32
      %dma_start3A_149 = tpu.memref_slice %arg11[%dma_start3A_147, %dma_start3A_148] : memref<10112x128xf32, #tpu.memory_space<vmem_shared>> -> memref<10112x128xf32, #tpu.memory_space<vmem_shared>>
      tpu.enqueue_indirect_dma source(%arg9 : memref<128x128xf32, #tpu.memory_space<vmem>>) target(%dma_start3A_149 : memref<10112x128xf32, #tpu.memory_space<vmem_shared>>) offsets(%dma_start3A_146 : memref<128xi32, #tpu.memory_space<vmem>>) semaphore(%arg15 : memref<!tpu.dma_semaphore, #tpu.memory_space<semaphore_mem>>) {add = true}
      %dma_wait3A_150 = arith.constant 0 : i32
      %dma_wait3A_151 = tpu.memref_slice %arg7[%add3A_131, %dma_wait3A_150] : memref<64x128xi32, #tpu.memory_space<vmem>> -> memref<1x128xi32, #tpu.memory_space<vmem>>
      %dma_wait3A_152 = tpu.memref_squeeze %dma_wait3A_151 : memref<1x128xi32, #tpu.memory_space<vmem>> -> memref<128xi32, #tpu.memory_space<vmem>>
      %dma_wait3A_153 = arith.constant 0 : i32
      %dma_wait3A_154 = arith.constant 0 : i32
      %dma_wait3A_155 = tpu.memref_slice %arg2[%dma_wait3A_153, %dma_wait3A_154] : memref<10112x128xf32, #tpu.memory_space<hbm>> -> memref<10112x128xf32, #tpu.memory_space<hbm>>
      tpu.wait_indirect_dma semaphore(%arg14 : memref<!tpu.dma_semaphore, #tpu.memory_space<semaphore_mem>>) src(%dma_wait3A_155 : memref<10112x128xf32, #tpu.memory_space<hbm>>) dst(%arg10 : memref<128x128xf32, #tpu.memory_space<vmem>>)
      %add3A_156 = arith.constant 1 : i32
      %add3A_157 = arith.addi %mul3A_123, %add3A_156 : i32
      %dma_start3A_158 = arith.constant 0 : i32
      %dma_start3A_159 = tpu.memref_slice %arg8[%add3A_157, %dma_start3A_158] : memref<64x128xi32, #tpu.memory_space<vmem>> -> memref<1x128xi32, #tpu.memory_space<vmem>>
      %dma_start3A_160 = tpu.memref_squeeze %dma_start3A_159 : memref<1x128xi32, #tpu.memory_space<vmem>> -> memref<128xi32, #tpu.memory_space<vmem>>
      %dma_start3A_161 = arith.constant 0 : i32
      %dma_start3A_162 = arith.constant 0 : i32
      %dma_start3A_163 = tpu.memref_slice %arg11[%dma_start3A_161, %dma_start3A_162] : memref<10112x128xf32, #tpu.memory_space<vmem_shared>> -> memref<10112x128xf32, #tpu.memory_space<vmem_shared>>
      tpu.enqueue_indirect_dma source(%arg10 : memref<128x128xf32, #tpu.memory_space<vmem>>) target(%dma_start3A_163 : memref<10112x128xf32, #tpu.memory_space<vmem_shared>>) offsets(%dma_start3A_160 : memref<128xi32, #tpu.memory_space<vmem>>) semaphore(%arg16 : memref<!tpu.dma_semaphore, #tpu.memory_space<semaphore_mem>>) {add = true}
      %dma_wait3A_164 = arith.constant 0 : i32
      %dma_wait3A_165 = tpu.memref_slice %arg8[%mul3A_123, %dma_wait3A_164] : memref<64x128xi32, #tpu.memory_space<vmem>> -> memref<1x128xi32, #tpu.memory_space<vmem>>
      %dma_wait3A_166 = tpu.memref_squeeze %dma_wait3A_165 : memref<1x128xi32, #tpu.memory_space<vmem>> -> memref<128xi32, #tpu.memory_space<vmem>>
      %dma_wait3A_167 = arith.constant 0 : i32
      %dma_wait3A_168 = arith.constant 0 : i32
      %dma_wait3A_169 = tpu.memref_slice %arg11[%dma_wait3A_167, %dma_wait3A_168] : memref<10112x128xf32, #tpu.memory_space<vmem_shared>> -> memref<10112x128xf32, #tpu.memory_space<vmem_shared>>
      tpu.wait_indirect_dma semaphore(%arg15 : memref<!tpu.dma_semaphore, #tpu.memory_space<semaphore_mem>>) src(%arg9 : memref<128x128xf32, #tpu.memory_space<vmem>>) dst(%dma_wait3A_169 : memref<10112x128xf32, #tpu.memory_space<vmem_shared>>)
      %dma_wait3A_170 = arith.constant 0 : i32
      %dma_wait3A_171 = tpu.memref_slice %arg8[%add3A_157, %dma_wait3A_170] : memref<64x128xi32, #tpu.memory_space<vmem>> -> memref<1x128xi32, #tpu.memory_space<vmem>>
      %dma_wait3A_172 = tpu.memref_squeeze %dma_wait3A_171 : memref<1x128xi32, #tpu.memory_space<vmem>> -> memref<128xi32, #tpu.memory_space<vmem>>
      %dma_wait3A_173 = arith.constant 0 : i32
      %dma_wait3A_174 = arith.constant 0 : i32
      %dma_wait3A_175 = tpu.memref_slice %arg11[%dma_wait3A_173, %dma_wait3A_174] : memref<10112x128xf32, #tpu.memory_space<vmem_shared>> -> memref<10112x128xf32, #tpu.memory_space<vmem_shared>>
      tpu.wait_indirect_dma semaphore(%arg16 : memref<!tpu.dma_semaphore, #tpu.memory_space<semaphore_mem>>) src(%arg10 : memref<128x128xf32, #tpu.memory_space<vmem>>) dst(%dma_wait3A_175 : memref<10112x128xf32, #tpu.memory_space<vmem_shared>>)
      %while3A_176 = arith.constant 0 : i32
      scf.yield %while3A_176 : i32
    }
    %while3A_75 = arith.constant 1 : i32
    %while3A_76 = scf.for %while3A_120 = %while3A_72 to %while3A_68 step %while3A_75 iter_args(%while3A_121 = %while3A_74) -> (i32)  : i32 {
      %mul3A_122 = arith.constant 2 : i32
      %mul3A_123 = arith.muli %mul3A_122, %while3A_120 : i32
      %dma_start3A_124 = arith.constant 0 : i32
      %dma_start3A_125 = tpu.memref_slice %arg7[%mul3A_123, %dma_start3A_124] : memref<64x128xi32, #tpu.memory_space<vmem>> -> memref<1x128xi32, #tpu.memory_space<vmem>>
      %dma_start3A_126 = tpu.memref_squeeze %dma_start3A_125 : memref<1x128xi32, #tpu.memory_space<vmem>> -> memref<128xi32, #tpu.memory_space<vmem>>
      %dma_start3A_127 = arith.constant 0 : i32
      %dma_start3A_128 = arith.constant 0 : i32
      %dma_start3A_129 = tpu.memref_slice %arg2[%dma_start3A_127, %dma_start3A_128] : memref<10112x128xf32, #tpu.memory_space<hbm>> -> memref<10112x128xf32, #tpu.memory_space<hbm>>
      tpu.enqueue_indirect_dma source(%dma_start3A_129 : memref<10112x128xf32, #tpu.memory_space<hbm>>) target(%arg9 : memref<128x128xf32, #tpu.memory_space<vmem>>) offsets(%dma_start3A_126 : memref<128xi32, #tpu.memory_space<vmem>>) semaphore(%arg13 : memref<!tpu.dma_semaphore, #tpu.memory_space<semaphore_mem>>)
      %add3A_130 = arith.constant 1 : i32
      %add3A_131 = arith.addi %mul3A_123, %add3A_130 : i32
      %dma_start3A_132 = arith.constant 0 : i32
      %dma_start3A_133 = tpu.memref_slice %arg7[%add3A_131, %dma_start3A_132] : memref<64x128xi32, #tpu.memory_space<vmem>> -> memref<1x128xi32, #tpu.memory_space<vmem>>
      %dma_start3A_134 = tpu.memref_squeeze %dma_start3A_133 : memref<1x128xi32, #tpu.memory_space<vmem>> -> memref<128xi32, #tpu.memory_space<vmem>>
      %dma_start3A_135 = arith.constant 0 : i32
      %dma_start3A_136 = arith.constant 0 : i32
      %dma_start3A_137 = tpu.memref_slice %arg2[%dma_start3A_135, %dma_start3A_136] : memref<10112x128xf32, #tpu.memory_space<hbm>> -> memref<10112x128xf32, #tpu.memory_space<hbm>>
      tpu.enqueue_indirect_dma source(%dma_start3A_137 : memref<10112x128xf32, #tpu.memory_space<hbm>>) target(%arg10 : memref<128x128xf32, #tpu.memory_space<vmem>>) offsets(%dma_start3A_134 : memref<128xi32, #tpu.memory_space<vmem>>) semaphore(%arg14 : memref<!tpu.dma_semaphore, #tpu.memory_space<semaphore_mem>>)
      %dma_wait3A_138 = arith.constant 0 : i32
      %dma_wait3A_139 = tpu.memref_slice %arg7[%mul3A_123, %dma_wait3A_138] : memref<64x128xi32, #tpu.memory_space<vmem>> -> memref<1x128xi32, #tpu.memory_space<vmem>>
      %dma_wait3A_140 = tpu.memref_squeeze %dma_wait3A_139 : memref<1x128xi32, #tpu.memory_space<vmem>> -> memref<128xi32, #tpu.memory_space<vmem>>
      %dma_wait3A_141 = arith.constant 0 : i32
      %dma_wait3A_142 = arith.constant 0 : i32
      %dma_wait3A_143 = tpu.memref_slice %arg2[%dma_wait3A_141, %dma_wait3A_142] : memref<10112x128xf32, #tpu.memory_space<hbm>> -> memref<10112x128xf32, #tpu.memory_space<hbm>>
      tpu.wait_indirect_dma semaphore(%arg13 : memref<!tpu.dma_semaphore, #tpu.memory_space<semaphore_mem>>) src(%dma_wait3A_143 : memref<10112x128xf32, #tpu.memory_space<hbm>>) dst(%arg9 : memref<128x128xf32, #tpu.memory_space<vmem>>)
      %dma_start3A_144 = arith.constant 0 : i32
      %dma_start3A_145 = tpu.memref_slice %arg8[%mul3A_123, %dma_start3A_144] : memref<64x128xi32, #tpu.memory_space<vmem>> -> memref<1x128xi32, #tpu.memory_space<vmem>>
      %dma_start3A_146 = tpu.memref_squeeze %dma_start3A_145 : memref<1x128xi32, #tpu.memory_space<vmem>> -> memref<128xi32, #tpu.memory_space<vmem>>
      %dma_start3A_147 = arith.constant 0 : i32
      %dma_start3A_148 = arith.constant 0 : i32
      %dma_start3A_149 = tpu.memref_slice %arg11[%dma_start3A_147, %dma_start3A_148] : memref<10112x128xf32, #tpu.memory_space<vmem_shared>> -> memref<10112x128xf32, #tpu.memory_space<vmem_shared>>
      tpu.enqueue_indirect_dma source(%arg9 : memref<128x128xf32, #tpu.memory_space<vmem>>) target(%dma_start3A_149 : memref<10112x128xf32, #tpu.memory_space<vmem_shared>>) offsets(%dma_start3A_146 : memref<128xi32, #tpu.memory_space<vmem>>) semaphore(%arg15 : memref<!tpu.dma_semaphore, #tpu.memory_space<semaphore_mem>>) {add = true}
      %dma_wait3A_150 = arith.constant 0 : i32
      %dma_wait3A_151 = tpu.memref_slice %arg7[%add3A_131, %dma_wait3A_150] : memref<64x128xi32, #tpu.memory_space<vmem>> -> memref<1x128xi32, #tpu.memory_space<vmem>>
      %dma_wait3A_152 = tpu.memref_squeeze %dma_wait3A_151 : memref<1x128xi32, #tpu.memory_space<vmem>> -> memref<128xi32, #tpu.memory_space<vmem>>
      %dma_wait3A_153 = arith.constant 0 : i32
      %dma_wait3A_154 = arith.constant 0 : i32
      %dma_wait3A_155 = tpu.memref_slice %arg2[%dma_wait3A_153, %dma_wait3A_154] : memref<10112x128xf32, #tpu.memory_space<hbm>> -> memref<10112x128xf32, #tpu.memory_space<hbm>>
      tpu.wait_indirect_dma semaphore(%arg14 : memref<!tpu.dma_semaphore, #tpu.memory_space<semaphore_mem>>) src(%dma_wait3A_155 : memref<10112x128xf32, #tpu.memory_space<hbm>>) dst(%arg10 : memref<128x128xf32, #tpu.memory_space<vmem>>)
      %add3A_156 = arith.constant 1 : i32
      %add3A_157 = arith.addi %mul3A_123, %add3A_156 : i32
      %dma_start3A_158 = arith.constant 0 : i32
      %dma_start3A_159 = tpu.memref_slice %arg8[%add3A_157, %dma_start3A_158] : memref<64x128xi32, #tpu.memory_space<vmem>> -> memref<1x128xi32, #tpu.memory_space<vmem>>
      %dma_start3A_160 = tpu.memref_squeeze %dma_start3A_159 : memref<1x128xi32, #tpu.memory_space<vmem>> -> memref<128xi32, #tpu.memory_space<vmem>>
      %dma_start3A_161 = arith.constant 0 : i32
      %dma_start3A_162 = arith.constant 0 : i32
      %dma_start3A_163 = tpu.memref_slice %arg11[%dma_start3A_161, %dma_start3A_162] : memref<10112x128xf32, #tpu.memory_space<vmem_shared>> -> memref<10112x128xf32, #tpu.memory_space<vmem_shared>>
      tpu.enqueue_indirect_dma source(%arg10 : memref<128x128xf32, #tpu.memory_space<vmem>>) target(%dma_start3A_163 : memref<10112x128xf32, #tpu.memory_space<vmem_shared>>) offsets(%dma_start3A_160 : memref<128xi32, #tpu.memory_space<vmem>>) semaphore(%arg16 : memref<!tpu.dma_semaphore, #tpu.memory_space<semaphore_mem>>) {add = true}
      %dma_wait3A_164 = arith.constant 0 : i32
      %dma_wait3A_165 = tpu.memref_slice %arg8[%mul3A_123, %dma_wait3A_164] : memref<64x128xi32, #tpu.memory_space<vmem>> -> memref<1x128xi32, #tpu.memory_space<vmem>>
      %dma_wait3A_166 = tpu.memref_squeeze %dma_wait3A_165 : memref<1x128xi32, #tpu.memory_space<vmem>> -> memref<128xi32, #tpu.memory_space<vmem>>
      %dma_wait3A_167 = arith.constant 0 : i32
      %dma_wait3A_168 = arith.constant 0 : i32
      %dma_wait3A_169 = tpu.memref_slice %arg11[%dma_wait3A_167, %dma_wait3A_168] : memref<10112x128xf32, #tpu.memory_space<vmem_shared>> -> memref<10112x128xf32, #tpu.memory_space<vmem_shared>>
      tpu.wait_indirect_dma semaphore(%arg15 : memref<!tpu.dma_semaphore, #tpu.memory_space<semaphore_mem>>) src(%arg9 : memref<128x128xf32, #tpu.memory_space<vmem>>) dst(%dma_wait3A_169 : memref<10112x128xf32, #tpu.memory_space<vmem_shared>>)
      %dma_wait3A_170 = arith.constant 0 : i32
      %dma_wait3A_171 = tpu.memref_slice %arg8[%add3A_157, %dma_wait3A_170] : memref<64x128xi32, #tpu.memory_space<vmem>> -> memref<1x128xi32, #tpu.memory_space<vmem>>
      %dma_wait3A_172 = tpu.memref_squeeze %dma_wait3A_171 : memref<1x128xi32, #tpu.memory_space<vmem>> -> memref<128xi32, #tpu.memory_space<vmem>>
      %dma_wait3A_173 = arith.constant 0 : i32
      %dma_wait3A_174 = arith.constant 0 : i32
      %dma_wait3A_175 = tpu.memref_slice %arg11[%dma_wait3A_173, %dma_wait3A_174] : memref<10112x128xf32, #tpu.memory_space<vmem_shared>> -> memref<10112x128xf32, #tpu.memory_space<vmem_shared>>
      tpu.wait_indirect_dma semaphore(%arg16 : memref<!tpu.dma_semaphore, #tpu.memory_space<semaphore_mem>>) src(%arg10 : memref<128x128xf32, #tpu.memory_space<vmem>>) dst(%dma_wait3A_175 : memref<10112x128xf32, #tpu.memory_space<vmem_shared>>)
      %while3A_176 = arith.constant 0 : i32
      scf.yield %while3A_176 : i32
    }
    %mul3A_77 = arith.constant 1 : i32
    %mul3A_78 = arith.muli %mul3A_77, %select_n3A_38 : i32
    %add3A_79 = arith.addi %select_n3A_20, %mul3A_78 : i32
    %multiple_of3A_80 = tpu.assume_multiple %add3A_79, 8 : i32
    "tpu.region"() ({
      %run_scoped3A = tpu.sem_alloc : memref<!tpu.dma_semaphore, #tpu.memory_space<semaphore_mem>>
      %dma_start3A_120 = arith.constant 0 : i32
      %dma_start3A_121 = tpu.memref_slice %arg3[%multiple_of3A_80, %dma_start3A_120] : memref<2592x128xi32, #tpu.memory_space<hbm>> -> memref<64x128xi32, #tpu.memory_space<hbm>>
      %dma_start3A_122 = arith.constant 0 : i32
      %dma_start3A_123 = tpu.memref_slice %arg3[%multiple_of3A_80, %dma_start3A_122] : memref<2592x128xi32, #tpu.memory_space<hbm>> -> memref<64x128xi32, #tpu.memory_space<hbm>>
      tpu.enqueue_dma source(%dma_start3A_123 : memref<64x128xi32, #tpu.memory_space<hbm>>) target(%arg7 : memref<64x128xi32, #tpu.memory_space<vmem>>) target_semaphore(%run_scoped3A : memref<!tpu.dma_semaphore, #tpu.memory_space<semaphore_mem>>)
      %dma_wait3A_124 = arith.constant 0 : i32
      %dma_wait3A_125 = tpu.memref_slice %arg3[%multiple_of3A_80, %dma_wait3A_124] : memref<2592x128xi32, #tpu.memory_space<hbm>> -> memref<64x128xi32, #tpu.memory_space<hbm>>
      %dma_wait3A_126 = arith.constant 0 : i32
      %dma_wait3A_127 = tpu.memref_slice %arg3[%multiple_of3A_80, %dma_wait3A_126] : memref<2592x128xi32, #tpu.memory_space<hbm>> -> memref<64x128xi32, #tpu.memory_space<hbm>>
      tpu.wait_dma2 semaphore(%run_scoped3A : memref<!tpu.dma_semaphore, #tpu.memory_space<semaphore_mem>>) src(%dma_wait3A_127 : memref<64x128xi32, #tpu.memory_space<hbm>>) dst(%arg7 : memref<64x128xi32, #tpu.memory_space<vmem>>)
      tpu.yield
    }) : () -> ()
    "tpu.region"() ({
      %run_scoped3A = tpu.sem_alloc : memref<!tpu.dma_semaphore, #tpu.memory_space<semaphore_mem>>
      %dma_start3A_120 = arith.constant 0 : i32
      %dma_start3A_121 = tpu.memref_slice %arg4[%multiple_of3A_80, %dma_start3A_120] : memref<2592x128xi32, #tpu.memory_space<hbm>> -> memref<64x128xi32, #tpu.memory_space<hbm>>
      %dma_start3A_122 = arith.constant 0 : i32
      %dma_start3A_123 = tpu.memref_slice %arg4[%multiple_of3A_80, %dma_start3A_122] : memref<2592x128xi32, #tpu.memory_space<hbm>> -> memref<64x128xi32, #tpu.memory_space<hbm>>
      tpu.enqueue_dma source(%dma_start3A_123 : memref<64x128xi32, #tpu.memory_space<hbm>>) target(%arg8 : memref<64x128xi32, #tpu.memory_space<vmem>>) target_semaphore(%run_scoped3A : memref<!tpu.dma_semaphore, #tpu.memory_space<semaphore_mem>>)
      %dma_wait3A_124 = arith.constant 0 : i32
      %dma_wait3A_125 = tpu.memref_slice %arg4[%multiple_of3A_80, %dma_wait3A_124] : memref<2592x128xi32, #tpu.memory_space<hbm>> -> memref<64x128xi32, #tpu.memory_space<hbm>>
      %dma_wait3A_126 = arith.constant 0 : i32
      %dma_wait3A_127 = tpu.memref_slice %arg4[%multiple_of3A_80, %dma_wait3A_126] : memref<2592x128xi32, #tpu.memory_space<hbm>> -> memref<64x128xi32, #tpu.memory_space<hbm>>
      tpu.wait_dma2 semaphore(%run_scoped3A : memref<!tpu.dma_semaphore, #tpu.memory_space<semaphore_mem>>) src(%dma_wait3A_127 : memref<64x128xi32, #tpu.memory_space<hbm>>) dst(%arg8 : memref<64x128xi32, #tpu.memory_space<vmem>>)
      tpu.yield
    }) : () -> ()
    %jit3A_81 = arith.constant 2 : i32
    %div3A_82 = arith.divsi %select_n3A_38, %jit3A_81 : i32
    %sign3A_83 = arith.constant 0 : i32
    %sign3A_84 = arith.cmpi sgt, %select_n3A_38, %sign3A_83 : i32
    %sign3A_85 = arith.extui %sign3A_84 : i1 to i32
    %sign3A_86 = arith.constant 0 : i32
    %sign3A_87 = arith.cmpi slt, %select_n3A_38, %sign3A_86 : i32
    %sign3A_88 = arith.extui %sign3A_87 : i1 to i32
    %sign3A_89 = arith.subi %sign3A_85, %sign3A_88 : i32
    %sign3A_90 = arith.constant 0 : i32
    %sign3A_91 = arith.cmpi sgt, %jit3A_81, %sign3A_90 : i32
    %sign3A_92 = arith.extui %sign3A_91 : i1 to i32
    %sign3A_93 = arith.constant 0 : i32
    %sign3A_94 = arith.cmpi slt, %jit3A_81, %sign3A_93 : i32
    %sign3A_95 = arith.extui %sign3A_94 : i1 to i32
    %sign3A_96 = arith.subi %sign3A_92, %sign3A_95 : i32
    %ne3A_97 = arith.cmpi ne, %sign3A_89, %sign3A_96 : i32
    %rem3A_98 = arith.remsi %select_n3A_38, %jit3A_81 : i32
    %ne3A_99 = arith.constant 0 : i32
    %ne3A_100 = arith.cmpi ne, %rem3A_98, %ne3A_99 : i32
    %and3A_101 = arith.andi %ne3A_97, %ne3A_100 : i1
    %sub3A_102 = arith.constant 1 : i32
    %sub3A_103 = arith.subi %div3A_82, %sub3A_102 : i32
    %select_n3A_104 = arith.select %and3A_101, %sub3A_103, %div3A_82 : i32
    %while3A_105 = arith.constant 0 : i32
    %while3A_106 = arith.constant 0 : i32
    %while3A_107 = arith.subi %select_n3A_104, %while3A_105 : i32
    %while3A_108 = arith.addi %while3A_105, %while3A_107 : i32
    %while3A_109 = arith.constant 1 : i32
    %while3A_110 = arith.divsi %while3A_107, %while3A_109 : i32
    %while3A_111 = arith.muli %while3A_110, %while3A_109 : i32
    %while3A_112 = arith.addi %while3A_105, %while3A_111 : i32
    %while3A_113 = arith.constant 1 : i32
    %while3A_114 = scf.for %while3A_120 = %while3A_105 to %while3A_112 step %while3A_113 iter_args(%while3A_121 = %while3A_106) -> (i32)  : i32 {
      %mul3A_122 = arith.constant 2 : i32
      %mul3A_123 = arith.muli %mul3A_122, %while3A_120 : i32
      %dma_start3A_124 = arith.constant 0 : i32
      %dma_start3A_125 = tpu.memref_slice %arg7[%mul3A_123, %dma_start3A_124] : memref<64x128xi32, #tpu.memory_space<vmem>> -> memref<1x128xi32, #tpu.memory_space<vmem>>
      %dma_start3A_126 = tpu.memref_squeeze %dma_start3A_125 : memref<1x128xi32, #tpu.memory_space<vmem>> -> memref<128xi32, #tpu.memory_space<vmem>>
      %dma_start3A_127 = arith.constant 0 : i32
      %dma_start3A_128 = arith.constant 0 : i32
      %dma_start3A_129 = tpu.memref_slice %arg2[%dma_start3A_127, %dma_start3A_128] : memref<10112x128xf32, #tpu.memory_space<hbm>> -> memref<10112x128xf32, #tpu.memory_space<hbm>>
      tpu.enqueue_indirect_dma source(%dma_start3A_129 : memref<10112x128xf32, #tpu.memory_space<hbm>>) target(%arg9 : memref<128x128xf32, #tpu.memory_space<vmem>>) offsets(%dma_start3A_126 : memref<128xi32, #tpu.memory_space<vmem>>) semaphore(%arg13 : memref<!tpu.dma_semaphore, #tpu.memory_space<semaphore_mem>>)
      %add3A_130 = arith.constant 1 : i32
      %add3A_131 = arith.addi %mul3A_123, %add3A_130 : i32
      %dma_start3A_132 = arith.constant 0 : i32
      %dma_start3A_133 = tpu.memref_slice %arg7[%add3A_131, %dma_start3A_132] : memref<64x128xi32, #tpu.memory_space<vmem>> -> memref<1x128xi32, #tpu.memory_space<vmem>>
      %dma_start3A_134 = tpu.memref_squeeze %dma_start3A_133 : memref<1x128xi32, #tpu.memory_space<vmem>> -> memref<128xi32, #tpu.memory_space<vmem>>
      %dma_start3A_135 = arith.constant 0 : i32
      %dma_start3A_136 = arith.constant 0 : i32
      %dma_start3A_137 = tpu.memref_slice %arg2[%dma_start3A_135, %dma_start3A_136] : memref<10112x128xf32, #tpu.memory_space<hbm>> -> memref<10112x128xf32, #tpu.memory_space<hbm>>
      tpu.enqueue_indirect_dma source(%dma_start3A_137 : memref<10112x128xf32, #tpu.memory_space<hbm>>) target(%arg10 : memref<128x128xf32, #tpu.memory_space<vmem>>) offsets(%dma_start3A_134 : memref<128xi32, #tpu.memory_space<vmem>>) semaphore(%arg14 : memref<!tpu.dma_semaphore, #tpu.memory_space<semaphore_mem>>)
      %dma_wait3A_138 = arith.constant 0 : i32
      %dma_wait3A_139 = tpu.memref_slice %arg7[%mul3A_123, %dma_wait3A_138] : memref<64x128xi32, #tpu.memory_space<vmem>> -> memref<1x128xi32, #tpu.memory_space<vmem>>
      %dma_wait3A_140 = tpu.memref_squeeze %dma_wait3A_139 : memref<1x128xi32, #tpu.memory_space<vmem>> -> memref<128xi32, #tpu.memory_space<vmem>>
      %dma_wait3A_141 = arith.constant 0 : i32
      %dma_wait3A_142 = arith.constant 0 : i32
      %dma_wait3A_143 = tpu.memref_slice %arg2[%dma_wait3A_141, %dma_wait3A_142] : memref<10112x128xf32, #tpu.memory_space<hbm>> -> memref<10112x128xf32, #tpu.memory_space<hbm>>
      tpu.wait_indirect_dma semaphore(%arg13 : memref<!tpu.dma_semaphore, #tpu.memory_space<semaphore_mem>>) src(%dma_wait3A_143 : memref<10112x128xf32, #tpu.memory_space<hbm>>) dst(%arg9 : memref<128x128xf32, #tpu.memory_space<vmem>>)
      %dma_start3A_144 = arith.constant 0 : i32
      %dma_start3A_145 = tpu.memref_slice %arg8[%mul3A_123, %dma_start3A_144] : memref<64x128xi32, #tpu.memory_space<vmem>> -> memref<1x128xi32, #tpu.memory_space<vmem>>
      %dma_start3A_146 = tpu.memref_squeeze %dma_start3A_145 : memref<1x128xi32, #tpu.memory_space<vmem>> -> memref<128xi32, #tpu.memory_space<vmem>>
      %dma_start3A_147 = arith.constant 0 : i32
      %dma_start3A_148 = arith.constant 0 : i32
      %dma_start3A_149 = tpu.memref_slice %arg11[%dma_start3A_147, %dma_start3A_148] : memref<10112x128xf32, #tpu.memory_space<vmem_shared>> -> memref<10112x128xf32, #tpu.memory_space<vmem_shared>>
      tpu.enqueue_indirect_dma source(%arg9 : memref<128x128xf32, #tpu.memory_space<vmem>>) target(%dma_start3A_149 : memref<10112x128xf32, #tpu.memory_space<vmem_shared>>) offsets(%dma_start3A_146 : memref<128xi32, #tpu.memory_space<vmem>>) semaphore(%arg15 : memref<!tpu.dma_semaphore, #tpu.memory_space<semaphore_mem>>) {add = true}
      %dma_wait3A_150 = arith.constant 0 : i32
      %dma_wait3A_151 = tpu.memref_slice %arg7[%add3A_131, %dma_wait3A_150] : memref<64x128xi32, #tpu.memory_space<vmem>> -> memref<1x128xi32, #tpu.memory_space<vmem>>
      %dma_wait3A_152 = tpu.memref_squeeze %dma_wait3A_151 : memref<1x128xi32, #tpu.memory_space<vmem>> -> memref<128xi32, #tpu.memory_space<vmem>>
      %dma_wait3A_153 = arith.constant 0 : i32
      %dma_wait3A_154 = arith.constant 0 : i32
      %dma_wait3A_155 = tpu.memref_slice %arg2[%dma_wait3A_153, %dma_wait3A_154] : memref<10112x128xf32, #tpu.memory_space<hbm>> -> memref<10112x128xf32, #tpu.memory_space<hbm>>
      tpu.wait_indirect_dma semaphore(%arg14 : memref<!tpu.dma_semaphore, #tpu.memory_space<semaphore_mem>>) src(%dma_wait3A_155 : memref<10112x128xf32, #tpu.memory_space<hbm>>) dst(%arg10 : memref<128x128xf32, #tpu.memory_space<vmem>>)
      %add3A_156 = arith.constant 1 : i32
      %add3A_157 = arith.addi %mul3A_123, %add3A_156 : i32
      %dma_start3A_158 = arith.constant 0 : i32
      %dma_start3A_159 = tpu.memref_slice %arg8[%add3A_157, %dma_start3A_158] : memref<64x128xi32, #tpu.memory_space<vmem>> -> memref<1x128xi32, #tpu.memory_space<vmem>>
      %dma_start3A_160 = tpu.memref_squeeze %dma_start3A_159 : memref<1x128xi32, #tpu.memory_space<vmem>> -> memref<128xi32, #tpu.memory_space<vmem>>
      %dma_start3A_161 = arith.constant 0 : i32
      %dma_start3A_162 = arith.constant 0 : i32
      %dma_start3A_163 = tpu.memref_slice %arg11[%dma_start3A_161, %dma_start3A_162] : memref<10112x128xf32, #tpu.memory_space<vmem_shared>> -> memref<10112x128xf32, #tpu.memory_space<vmem_shared>>
      tpu.enqueue_indirect_dma source(%arg10 : memref<128x128xf32, #tpu.memory_space<vmem>>) target(%dma_start3A_163 : memref<10112x128xf32, #tpu.memory_space<vmem_shared>>) offsets(%dma_start3A_160 : memref<128xi32, #tpu.memory_space<vmem>>) semaphore(%arg16 : memref<!tpu.dma_semaphore, #tpu.memory_space<semaphore_mem>>) {add = true}
      %dma_wait3A_164 = arith.constant 0 : i32
      %dma_wait3A_165 = tpu.memref_slice %arg8[%mul3A_123, %dma_wait3A_164] : memref<64x128xi32, #tpu.memory_space<vmem>> -> memref<1x128xi32, #tpu.memory_space<vmem>>
      %dma_wait3A_166 = tpu.memref_squeeze %dma_wait3A_165 : memref<1x128xi32, #tpu.memory_space<vmem>> -> memref<128xi32, #tpu.memory_space<vmem>>
      %dma_wait3A_167 = arith.constant 0 : i32
      %dma_wait3A_168 = arith.constant 0 : i32
      %dma_wait3A_169 = tpu.memref_slice %arg11[%dma_wait3A_167, %dma_wait3A_168] : memref<10112x128xf32, #tpu.memory_space<vmem_shared>> -> memref<10112x128xf32, #tpu.memory_space<vmem_shared>>
      tpu.wait_indirect_dma semaphore(%arg15 : memref<!tpu.dma_semaphore, #tpu.memory_space<semaphore_mem>>) src(%arg9 : memref<128x128xf32, #tpu.memory_space<vmem>>) dst(%dma_wait3A_169 : memref<10112x128xf32, #tpu.memory_space<vmem_shared>>)
      %dma_wait3A_170 = arith.constant 0 : i32
      %dma_wait3A_171 = tpu.memref_slice %arg8[%add3A_157, %dma_wait3A_170] : memref<64x128xi32, #tpu.memory_space<vmem>> -> memref<1x128xi32, #tpu.memory_space<vmem>>
      %dma_wait3A_172 = tpu.memref_squeeze %dma_wait3A_171 : memref<1x128xi32, #tpu.memory_space<vmem>> -> memref<128xi32, #tpu.memory_space<vmem>>
      %dma_wait3A_173 = arith.constant 0 : i32
      %dma_wait3A_174 = arith.constant 0 : i32
      %dma_wait3A_175 = tpu.memref_slice %arg11[%dma_wait3A_173, %dma_wait3A_174] : memref<10112x128xf32, #tpu.memory_space<vmem_shared>> -> memref<10112x128xf32, #tpu.memory_space<vmem_shared>>
      tpu.wait_indirect_dma semaphore(%arg16 : memref<!tpu.dma_semaphore, #tpu.memory_space<semaphore_mem>>) src(%arg10 : memref<128x128xf32, #tpu.memory_space<vmem>>) dst(%dma_wait3A_175 : memref<10112x128xf32, #tpu.memory_space<vmem_shared>>)
      %while3A_176 = arith.constant 0 : i32
      scf.yield %while3A_176 : i32
    }
    %while3A_115 = arith.constant 1 : i32
    %while3A_116 = scf.for %while3A_120 = %while3A_112 to %while3A_108 step %while3A_115 iter_args(%while3A_121 = %while3A_114) -> (i32)  : i32 {
      %mul3A_122 = arith.constant 2 : i32
      %mul3A_123 = arith.muli %mul3A_122, %while3A_120 : i32
      %dma_start3A_124 = arith.constant 0 : i32
      %dma_start3A_125 = tpu.memref_slice %arg7[%mul3A_123, %dma_start3A_124] : memref<64x128xi32, #tpu.memory_space<vmem>> -> memref<1x128xi32, #tpu.memory_space<vmem>>
      %dma_start3A_126 = tpu.memref_squeeze %dma_start3A_125 : memref<1x128xi32, #tpu.memory_space<vmem>> -> memref<128xi32, #tpu.memory_space<vmem>>
      %dma_start3A_127 = arith.constant 0 : i32
      %dma_start3A_128 = arith.constant 0 : i32
      %dma_start3A_129 = tpu.memref_slice %arg2[%dma_start3A_127, %dma_start3A_128] : memref<10112x128xf32, #tpu.memory_space<hbm>> -> memref<10112x128xf32, #tpu.memory_space<hbm>>
      tpu.enqueue_indirect_dma source(%dma_start3A_129 : memref<10112x128xf32, #tpu.memory_space<hbm>>) target(%arg9 : memref<128x128xf32, #tpu.memory_space<vmem>>) offsets(%dma_start3A_126 : memref<128xi32, #tpu.memory_space<vmem>>) semaphore(%arg13 : memref<!tpu.dma_semaphore, #tpu.memory_space<semaphore_mem>>)
      %add3A_130 = arith.constant 1 : i32
      %add3A_131 = arith.addi %mul3A_123, %add3A_130 : i32
      %dma_start3A_132 = arith.constant 0 : i32
      %dma_start3A_133 = tpu.memref_slice %arg7[%add3A_131, %dma_start3A_132] : memref<64x128xi32, #tpu.memory_space<vmem>> -> memref<1x128xi32, #tpu.memory_space<vmem>>
      %dma_start3A_134 = tpu.memref_squeeze %dma_start3A_133 : memref<1x128xi32, #tpu.memory_space<vmem>> -> memref<128xi32, #tpu.memory_space<vmem>>
      %dma_start3A_135 = arith.constant 0 : i32
      %dma_start3A_136 = arith.constant 0 : i32
      %dma_start3A_137 = tpu.memref_slice %arg2[%dma_start3A_135, %dma_start3A_136] : memref<10112x128xf32, #tpu.memory_space<hbm>> -> memref<10112x128xf32, #tpu.memory_space<hbm>>
      tpu.enqueue_indirect_dma source(%dma_start3A_137 : memref<10112x128xf32, #tpu.memory_space<hbm>>) target(%arg10 : memref<128x128xf32, #tpu.memory_space<vmem>>) offsets(%dma_start3A_134 : memref<128xi32, #tpu.memory_space<vmem>>) semaphore(%arg14 : memref<!tpu.dma_semaphore, #tpu.memory_space<semaphore_mem>>)
      %dma_wait3A_138 = arith.constant 0 : i32
      %dma_wait3A_139 = tpu.memref_slice %arg7[%mul3A_123, %dma_wait3A_138] : memref<64x128xi32, #tpu.memory_space<vmem>> -> memref<1x128xi32, #tpu.memory_space<vmem>>
      %dma_wait3A_140 = tpu.memref_squeeze %dma_wait3A_139 : memref<1x128xi32, #tpu.memory_space<vmem>> -> memref<128xi32, #tpu.memory_space<vmem>>
      %dma_wait3A_141 = arith.constant 0 : i32
      %dma_wait3A_142 = arith.constant 0 : i32
      %dma_wait3A_143 = tpu.memref_slice %arg2[%dma_wait3A_141, %dma_wait3A_142] : memref<10112x128xf32, #tpu.memory_space<hbm>> -> memref<10112x128xf32, #tpu.memory_space<hbm>>
      tpu.wait_indirect_dma semaphore(%arg13 : memref<!tpu.dma_semaphore, #tpu.memory_space<semaphore_mem>>) src(%dma_wait3A_143 : memref<10112x128xf32, #tpu.memory_space<hbm>>) dst(%arg9 : memref<128x128xf32, #tpu.memory_space<vmem>>)
      %dma_start3A_144 = arith.constant 0 : i32
      %dma_start3A_145 = tpu.memref_slice %arg8[%mul3A_123, %dma_start3A_144] : memref<64x128xi32, #tpu.memory_space<vmem>> -> memref<1x128xi32, #tpu.memory_space<vmem>>
      %dma_start3A_146 = tpu.memref_squeeze %dma_start3A_145 : memref<1x128xi32, #tpu.memory_space<vmem>> -> memref<128xi32, #tpu.memory_space<vmem>>
      %dma_start3A_147 = arith.constant 0 : i32
      %dma_start3A_148 = arith.constant 0 : i32
      %dma_start3A_149 = tpu.memref_slice %arg11[%dma_start3A_147, %dma_start3A_148] : memref<10112x128xf32, #tpu.memory_space<vmem_shared>> -> memref<10112x128xf32, #tpu.memory_space<vmem_shared>>
      tpu.enqueue_indirect_dma source(%arg9 : memref<128x128xf32, #tpu.memory_space<vmem>>) target(%dma_start3A_149 : memref<10112x128xf32, #tpu.memory_space<vmem_shared>>) offsets(%dma_start3A_146 : memref<128xi32, #tpu.memory_space<vmem>>) semaphore(%arg15 : memref<!tpu.dma_semaphore, #tpu.memory_space<semaphore_mem>>) {add = true}
      %dma_wait3A_150 = arith.constant 0 : i32
      %dma_wait3A_151 = tpu.memref_slice %arg7[%add3A_131, %dma_wait3A_150] : memref<64x128xi32, #tpu.memory_space<vmem>> -> memref<1x128xi32, #tpu.memory_space<vmem>>
      %dma_wait3A_152 = tpu.memref_squeeze %dma_wait3A_151 : memref<1x128xi32, #tpu.memory_space<vmem>> -> memref<128xi32, #tpu.memory_space<vmem>>
      %dma_wait3A_153 = arith.constant 0 : i32
      %dma_wait3A_154 = arith.constant 0 : i32
      %dma_wait3A_155 = tpu.memref_slice %arg2[%dma_wait3A_153, %dma_wait3A_154] : memref<10112x128xf32, #tpu.memory_space<hbm>> -> memref<10112x128xf32, #tpu.memory_space<hbm>>
      tpu.wait_indirect_dma semaphore(%arg14 : memref<!tpu.dma_semaphore, #tpu.memory_space<semaphore_mem>>) src(%dma_wait3A_155 : memref<10112x128xf32, #tpu.memory_space<hbm>>) dst(%arg10 : memref<128x128xf32, #tpu.memory_space<vmem>>)
      %add3A_156 = arith.constant 1 : i32
      %add3A_157 = arith.addi %mul3A_123, %add3A_156 : i32
      %dma_start3A_158 = arith.constant 0 : i32
      %dma_start3A_159 = tpu.memref_slice %arg8[%add3A_157, %dma_start3A_158] : memref<64x128xi32, #tpu.memory_space<vmem>> -> memref<1x128xi32, #tpu.memory_space<vmem>>
      %dma_start3A_160 = tpu.memref_squeeze %dma_start3A_159 : memref<1x128xi32, #tpu.memory_space<vmem>> -> memref<128xi32, #tpu.memory_space<vmem>>
      %dma_start3A_161 = arith.constant 0 : i32
      %dma_start3A_162 = arith.constant 0 : i32
      %dma_start3A_163 = tpu.memref_slice %arg11[%dma_start3A_161, %dma_start3A_162] : memref<10112x128xf32, #tpu.memory_space<vmem_shared>> -> memref<10112x128xf32, #tpu.memory_space<vmem_shared>>
      tpu.enqueue_indirect_dma source(%arg10 : memref<128x128xf32, #tpu.memory_space<vmem>>) target(%dma_start3A_163 : memref<10112x128xf32, #tpu.memory_space<vmem_shared>>) offsets(%dma_start3A_160 : memref<128xi32, #tpu.memory_space<vmem>>) semaphore(%arg16 : memref<!tpu.dma_semaphore, #tpu.memory_space<semaphore_mem>>) {add = true}
      %dma_wait3A_164 = arith.constant 0 : i32
      %dma_wait3A_165 = tpu.memref_slice %arg8[%mul3A_123, %dma_wait3A_164] : memref<64x128xi32, #tpu.memory_space<vmem>> -> memref<1x128xi32, #tpu.memory_space<vmem>>
      %dma_wait3A_166 = tpu.memref_squeeze %dma_wait3A_165 : memref<1x128xi32, #tpu.memory_space<vmem>> -> memref<128xi32, #tpu.memory_space<vmem>>
      %dma_wait3A_167 = arith.constant 0 : i32
      %dma_wait3A_168 = arith.constant 0 : i32
      %dma_wait3A_169 = tpu.memref_slice %arg11[%dma_wait3A_167, %dma_wait3A_168] : memref<10112x128xf32, #tpu.memory_space<vmem_shared>> -> memref<10112x128xf32, #tpu.memory_space<vmem_shared>>
      tpu.wait_indirect_dma semaphore(%arg15 : memref<!tpu.dma_semaphore, #tpu.memory_space<semaphore_mem>>) src(%arg9 : memref<128x128xf32, #tpu.memory_space<vmem>>) dst(%dma_wait3A_169 : memref<10112x128xf32, #tpu.memory_space<vmem_shared>>)
      %dma_wait3A_170 = arith.constant 0 : i32
      %dma_wait3A_171 = tpu.memref_slice %arg8[%add3A_157, %dma_wait3A_170] : memref<64x128xi32, #tpu.memory_space<vmem>> -> memref<1x128xi32, #tpu.memory_space<vmem>>
      %dma_wait3A_172 = tpu.memref_squeeze %dma_wait3A_171 : memref<1x128xi32, #tpu.memory_space<vmem>> -> memref<128xi32, #tpu.memory_space<vmem>>
      %dma_wait3A_173 = arith.constant 0 : i32
      %dma_wait3A_174 = arith.constant 0 : i32
      %dma_wait3A_175 = tpu.memref_slice %arg11[%dma_wait3A_173, %dma_wait3A_174] : memref<10112x128xf32, #tpu.memory_space<vmem_shared>> -> memref<10112x128xf32, #tpu.memory_space<vmem_shared>>
      tpu.wait_indirect_dma semaphore(%arg16 : memref<!tpu.dma_semaphore, #tpu.memory_space<semaphore_mem>>) src(%arg10 : memref<128x128xf32, #tpu.memory_space<vmem>>) dst(%dma_wait3A_175 : memref<10112x128xf32, #tpu.memory_space<vmem_shared>>)
      %while3A_176 = arith.constant 0 : i32
      scf.yield %while3A_176 : i32
    }
    %barrier3A_117 = arith.constant 0 : index
    tpu.barrier barrier_id(%barrier3A_117)
    %delay3A_118 = arith.constant 4000 : i32
    tpu.delay %delay3A_118
    %barrier3A_119 = arith.constant 0 : index
    tpu.barrier barrier_id(%barrier3A_119)
    "tpu.region"() ({
      %run_scoped3A = tpu.sem_alloc : memref<!tpu.dma_semaphore, #tpu.memory_space<semaphore_mem>>
      %dma_start3A_120 = arith.constant 0 : i32
      %dma_start3A_121 = tpu.memref_slice %arg6[%arg0, %mul3A_2, %dma_start3A_120] : memref<2x10112x128xf32, #tpu.memory_space<hbm>> -> memref<1x632x128xf32, #tpu.memory_space<hbm>>
      %dma_start3A_122 = tpu.memref_squeeze %dma_start3A_121 : memref<1x632x128xf32, #tpu.memory_space<hbm>> -> memref<632x128xf32, #tpu.memory_space<hbm>>
      %dma_start3A_123 = arith.constant 0 : i32
      %dma_start3A_124 = tpu.memref_slice %arg11[%mul3A_2, %dma_start3A_123] : memref<10112x128xf32, #tpu.memory_space<vmem_shared>> -> memref<632x128xf32, #tpu.memory_space<vmem_shared>>
      tpu.enqueue_dma source(%dma_start3A_124 : memref<632x128xf32, #tpu.memory_space<vmem_shared>>) target(%dma_start3A_122 : memref<632x128xf32, #tpu.memory_space<hbm>>) target_semaphore(%run_scoped3A : memref<!tpu.dma_semaphore, #tpu.memory_space<semaphore_mem>>)
      %dma_wait3A_125 = arith.constant 0 : i32
      %dma_wait3A_126 = tpu.memref_slice %arg6[%arg0, %mul3A_2, %dma_wait3A_125] : memref<2x10112x128xf32, #tpu.memory_space<hbm>> -> memref<1x632x128xf32, #tpu.memory_space<hbm>>
      %dma_wait3A_127 = tpu.memref_squeeze %dma_wait3A_126 : memref<1x632x128xf32, #tpu.memory_space<hbm>> -> memref<632x128xf32, #tpu.memory_space<hbm>>
      %dma_wait3A_128 = arith.constant 0 : i32
      %dma_wait3A_129 = tpu.memref_slice %arg11[%mul3A_2, %dma_wait3A_128] : memref<10112x128xf32, #tpu.memory_space<vmem_shared>> -> memref<632x128xf32, #tpu.memory_space<vmem_shared>>
      tpu.wait_dma2 semaphore(%run_scoped3A : memref<!tpu.dma_semaphore, #tpu.memory_space<semaphore_mem>>) src(%dma_wait3A_129 : memref<632x128xf32, #tpu.memory_space<vmem_shared>>) dst(%dma_wait3A_127 : memref<632x128xf32, #tpu.memory_space<hbm>>)
      tpu.yield
    }) : () -> ()
    return
  }
}

module attributes {stable_mosaic.version = 14 : i64} {
  func.func @_tc1_body(%arg0: i32, %arg1: memref<2528x128xf32, #tpu.memory_space<vmem>>, %arg2: memref<128x128xf32, #tpu.memory_space<vmem>>, %arg3: memref<2x2528x16xf32, #tpu.memory_space<vmem>>, %arg4: memref<2528x128xf32, #tpu.memory_space<vmem>>) attributes {dimension_semantics = [#tpu.dimension_semantics<arbitrary>], iteration_bounds = array<i64: 4>, scalar_prefetch = 0 : i64, scratch_operands = 0 : i64, tpu.core_type = #tpu.core_type<tc>, window_params = [{transform_indices = @transform_0, window_bounds = array<i64: 2528, 128>}, {pipeline_mode = #tpu.pipeline_mode<synchronous>, transform_indices = @transform_1, window_bounds = array<i64: 128, 128>}, {transform_indices = @transform_2, window_bounds = array<i64: 2, 2528, 16>}, {transform_indices = @transform_3, window_bounds = array<i64: 2528, 128>}]} {
    %get3A = arith.constant 0 : index
    %get3A_0 = arith.constant 0 : index
    %get3A_1 = arith.constant 0 : index
    %get3A_2 = vector.load %arg3[%get3A, %get3A_0, %get3A_1] : memref<2x2528x16xf32, #tpu.memory_space<vmem>>, vector<1x2528x16xf32>
    %get3A_3 = vector.shape_cast %get3A_2 : vector<1x2528x16xf32> to vector<2528x16xf32>
    %slice3A = vector.extract_strided_slice %get3A_3 {offsets = [0, 0], sizes = [2528, 1], strides = [1, 1]} : vector<2528x16xf32> to vector<2528x1xf32>
    %get3A_4 = arith.constant 1 : index
    %get3A_5 = arith.constant 0 : index
    %get3A_6 = arith.constant 0 : index
    %get3A_7 = vector.load %arg3[%get3A_4, %get3A_5, %get3A_6] : memref<2x2528x16xf32, #tpu.memory_space<vmem>>, vector<1x2528x16xf32>
    %get3A_8 = vector.shape_cast %get3A_7 : vector<1x2528x16xf32> to vector<2528x16xf32>
    %slice3A_9 = vector.extract_strided_slice %get3A_8 {offsets = [0, 0], sizes = [2528, 1], strides = [1, 1]} : vector<2528x16xf32> to vector<2528x1xf32>
    %add3A = arith.addf %slice3A, %slice3A_9 : vector<2528x1xf32>
    %add3A_10 = arith.constant 1.000000e+00 : f32
    %add3A_11 = vector.broadcast %add3A_10 : f32 to vector<2528x1xf32>
    %add3A_12 = arith.addf %add3A, %add3A_11 : vector<2528x1xf32>
    %rsqrt3A = math.rsqrt %add3A_12 : vector<2528x1xf32>
    %get3A_13 = arith.constant 0 : index
    %get3A_14 = arith.constant 0 : index
    %get3A_15 = vector.load %arg1[%get3A_13, %get3A_14] : memref<2528x128xf32, #tpu.memory_space<vmem>>, vector<2528x128xf32>
    %get3A_16 = arith.constant 0 : index
    %get3A_17 = arith.constant 0 : index
    %get3A_18 = vector.load %arg2[%get3A_16, %get3A_17] : memref<128x128xf32, #tpu.memory_space<vmem>>, vector<128x128xf32>
    %dot_general3A = arith.constant dense<0.000000e+00> : vector<2528x128xf32>
    %dot_general3A_19 = tpu.matmul %get3A_15, %get3A_18, %dot_general3A {dimension_numbers = #tpu.dot_dimension_numbers<[1], [0], [0], [1], [0, 0, 1, 1], [], []>, transpose_lhs_hint = false} : vector<2528x128xf32>, vector<128x128xf32>, vector<2528x128xf32> -> vector<2528x128xf32>
    %mul3A = vector.broadcast %rsqrt3A : vector<2528x1xf32> to vector<2528x128xf32>
    %mul3A_20 = arith.mulf %dot_general3A_19, %mul3A : vector<2528x128xf32>
    %swap3A = arith.constant 0 : index
    %swap3A_21 = arith.constant 0 : index
    %swap3A_22 = vector.load %arg4[%swap3A, %swap3A_21] : memref<2528x128xf32, #tpu.memory_space<vmem>>, vector<2528x128xf32>
    tpu.vector_store %arg4[%swap3A, %swap3A_21], %mul3A_20 {strides = array<i32>} : memref<2528x128xf32, #tpu.memory_space<vmem>>, vector<2528x128xf32>,
    return
  }
  func.func @transform_0(%arg0: i32) -> (i32, i32) {
    %c0_i32 = arith.constant 0 : i32
    %c0_i32_0 = arith.constant 0 : i32
    return %arg0, %c0_i32 : i32, i32
  }
  func.func @transform_1(%arg0: i32) -> (i32, i32) {
    %c0_i32 = arith.constant 0 : i32
    %c0_i32_0 = arith.constant 0 : i32
    %c0_i32_1 = arith.constant 0 : i32
    return %c0_i32, %c0_i32_0 : i32, i32
  }
  func.func @transform_2(%arg0: i32) -> (i32, i32, i32) {
    %c0_i32 = arith.constant 0 : i32
    %c0_i32_0 = arith.constant 0 : i32
    %c0_i32_1 = arith.constant 0 : i32
    return %c0_i32, %arg0, %c0_i32_0 : i32, i32, i32
  }
  func.func @transform_3(%arg0: i32) -> (i32, i32) {
    %c0_i32 = arith.constant 0 : i32
    %c0_i32_0 = arith.constant 0 : i32
    return %arg0, %c0_i32 : i32, i32
  }
}

module attributes {stable_mosaic.version = 14 : i64} {
  func.func @_tc2_body(%arg0: i32, %arg1: memref<2x2528x128xf32, #tpu.memory_space<vmem>>, %arg2: memref<2528x128xf32, #tpu.memory_space<vmem>>, %arg3: memref<2x2528x16xf32, #tpu.memory_space<vmem>>, %arg4: memref<128x128xf32, #tpu.memory_space<vmem>>, %arg5: memref<1x128xf32, #tpu.memory_space<vmem>>, %arg6: memref<2528x128xf32, #tpu.memory_space<vmem>>) attributes {dimension_semantics = [#tpu.dimension_semantics<arbitrary>], iteration_bounds = array<i64: 4>, scalar_prefetch = 0 : i64, scratch_operands = 0 : i64, tpu.core_type = #tpu.core_type<tc>, window_params = [{transform_indices = @transform_0, window_bounds = array<i64: 2, 2528, 128>}, {transform_indices = @transform_1, window_bounds = array<i64: 2528, 128>}, {transform_indices = @transform_2, window_bounds = array<i64: 2, 2528, 16>}, {pipeline_mode = #tpu.pipeline_mode<synchronous>, transform_indices = @transform_3, window_bounds = array<i64: 128, 128>}, {pipeline_mode = #tpu.pipeline_mode<synchronous>, transform_indices = @transform_4, window_bounds = array<i64: 1, 128>}, {transform_indices = @transform_5, window_bounds = array<i64: 2528, 128>}]} {
    %get3A = arith.constant 0 : index
    %get3A_0 = arith.constant 0 : index
    %get3A_1 = arith.constant 0 : index
    %get3A_2 = vector.load %arg3[%get3A, %get3A_0, %get3A_1] : memref<2x2528x16xf32, #tpu.memory_space<vmem>>, vector<1x2528x16xf32>
    %get3A_3 = vector.shape_cast %get3A_2 : vector<1x2528x16xf32> to vector<2528x16xf32>
    %slice3A = vector.extract_strided_slice %get3A_3 {offsets = [0, 0], sizes = [2528, 1], strides = [1, 1]} : vector<2528x16xf32> to vector<2528x1xf32>
    %get3A_4 = arith.constant 1 : index
    %get3A_5 = arith.constant 0 : index
    %get3A_6 = arith.constant 0 : index
    %get3A_7 = vector.load %arg3[%get3A_4, %get3A_5, %get3A_6] : memref<2x2528x16xf32, #tpu.memory_space<vmem>>, vector<1x2528x16xf32>
    %get3A_8 = vector.shape_cast %get3A_7 : vector<1x2528x16xf32> to vector<2528x16xf32>
    %slice3A_9 = vector.extract_strided_slice %get3A_8 {offsets = [0, 0], sizes = [2528, 1], strides = [1, 1]} : vector<2528x16xf32> to vector<2528x1xf32>
    %add3A = arith.addf %slice3A, %slice3A_9 : vector<2528x1xf32>
    %add3A_10 = arith.constant 1.000000e+00 : f32
    %add3A_11 = vector.broadcast %add3A_10 : f32 to vector<2528x1xf32>
    %add3A_12 = arith.addf %add3A, %add3A_11 : vector<2528x1xf32>
    %rsqrt3A = math.rsqrt %add3A_12 : vector<2528x1xf32>
    %get3A_13 = arith.constant 0 : index
    %get3A_14 = arith.constant 0 : index
    %get3A_15 = arith.constant 0 : index
    %get3A_16 = vector.load %arg1[%get3A_13, %get3A_14, %get3A_15] : memref<2x2528x128xf32, #tpu.memory_space<vmem>>, vector<1x2528x128xf32>
    %get3A_17 = vector.shape_cast %get3A_16 : vector<1x2528x128xf32> to vector<2528x128xf32>
    %get3A_18 = arith.constant 1 : index
    %get3A_19 = arith.constant 0 : index
    %get3A_20 = arith.constant 0 : index
    %get3A_21 = vector.load %arg1[%get3A_18, %get3A_19, %get3A_20] : memref<2x2528x128xf32, #tpu.memory_space<vmem>>, vector<1x2528x128xf32>
    %get3A_22 = vector.shape_cast %get3A_21 : vector<1x2528x128xf32> to vector<2528x128xf32>
    %add3A_23 = arith.addf %get3A_17, %get3A_22 : vector<2528x128xf32>
    %get3A_24 = arith.constant 0 : index
    %get3A_25 = arith.constant 0 : index
    %get3A_26 = vector.load %arg2[%get3A_24, %get3A_25] : memref<2528x128xf32, #tpu.memory_space<vmem>>, vector<2528x128xf32>
    %add3A_27 = arith.addf %add3A_23, %get3A_26 : vector<2528x128xf32>
    %mul3A = vector.broadcast %rsqrt3A : vector<2528x1xf32> to vector<2528x128xf32>
    %mul3A_28 = arith.mulf %mul3A, %add3A_27 : vector<2528x128xf32>
    %get3A_29 = arith.constant 0 : index
    %get3A_30 = arith.constant 0 : index
    %get3A_31 = vector.load %arg5[%get3A_29, %get3A_30] : memref<1x128xf32, #tpu.memory_space<vmem>>, vector<1x128xf32>
    %add3A_32 = vector.broadcast %get3A_31 : vector<1x128xf32> to vector<2528x128xf32>
    %add3A_33 = arith.addf %mul3A_28, %add3A_32 : vector<2528x128xf32>
    %max3A = arith.constant 0.000000e+00 : f32
    %max3A_34 = vector.broadcast %max3A : f32 to vector<2528x128xf32>
    %max3A_35 = arith.maximumf %add3A_33, %max3A_34 : vector<2528x128xf32>
    %mul3A_36 = arith.constant 2528 : i32
    %mul3A_37 = arith.muli %arg0, %mul3A_36 : i32
    %iota3A = tpu.iota {dimensions = array<i32: 0>} : vector<2528x1xi32>
    %add3A_38 = vector.broadcast %mul3A_37 : i32 to vector<2528x1xi32>
    %add3A_39 = arith.addi %add3A_38, %iota3A : vector<2528x1xi32>
    %lt3A = arith.constant 10000 : i32
    %lt3A_40 = vector.broadcast %lt3A : i32 to vector<2528x1xi32>
    %lt3A_41 = arith.cmpi slt, %add3A_39, %lt3A_40 : vector<2528x1xi32>
    %jit3A = arith.constant 0.000000e+00 : f32
    %broadcast_in_dim3A = vector.shape_cast %lt3A_41 : vector<2528x1xi1> to vector<2528x1xi1>
    %broadcast_in_dim3A_42 = vector.broadcast %broadcast_in_dim3A : vector<2528x1xi1> to vector<2528x128xi1>
    %broadcast_in_dim3A_43 = vector.broadcast %jit3A : f32 to vector<2528x128xf32>
    %select_n3A = arith.select %broadcast_in_dim3A_42, %max3A_35, %broadcast_in_dim3A_43 : vector<2528x128xi1>, vector<2528x128xf32>
    %get3A_44 = arith.constant 0 : index
    %get3A_45 = arith.constant 0 : index
    %get3A_46 = vector.load %arg4[%get3A_44, %get3A_45] : memref<128x128xf32, #tpu.memory_space<vmem>>, vector<128x128xf32>
    %dot_general3A = arith.constant dense<0.000000e+00> : vector<2528x128xf32>
    %dot_general3A_47 = tpu.matmul %select_n3A, %get3A_46, %dot_general3A {dimension_numbers = #tpu.dot_dimension_numbers<[1], [0], [0], [1], [0, 0, 1, 1], [], []>, transpose_lhs_hint = false} : vector<2528x128xf32>, vector<128x128xf32>, vector<2528x128xf32> -> vector<2528x128xf32>
    %mul3A_48 = vector.broadcast %rsqrt3A : vector<2528x1xf32> to vector<2528x128xf32>
    %mul3A_49 = arith.mulf %dot_general3A_47, %mul3A_48 : vector<2528x128xf32>
    %swap3A = arith.constant 0 : index
    %swap3A_50 = arith.constant 0 : index
    %swap3A_51 = vector.load %arg6[%swap3A, %swap3A_50] : memref<2528x128xf32, #tpu.memory_space<vmem>>, vector<2528x128xf32>
    tpu.vector_store %arg6[%swap3A, %swap3A_50], %mul3A_49 {strides = array<i32>} : memref<2528x128xf32, #tpu.memory_space<vmem>>, vector<2528x128xf32>,
    return
  }
  func.func @transform_0(%arg0: i32) -> (i32, i32, i32) {
    %c0_i32 = arith.constant 0 : i32
    %c0_i32_0 = arith.constant 0 : i32
    %c0_i32_1 = arith.constant 0 : i32
    return %c0_i32, %arg0, %c0_i32_0 : i32, i32, i32
  }
  func.func @transform_1(%arg0: i32) -> (i32, i32) {
    %c0_i32 = arith.constant 0 : i32
    %c0_i32_0 = arith.constant 0 : i32
    return %arg0, %c0_i32 : i32, i32
  }
  func.func @transform_2(%arg0: i32) -> (i32, i32, i32) {
    %c0_i32 = arith.constant 0 : i32
    %c0_i32_0 = arith.constant 0 : i32
    %c0_i32_1 = arith.constant 0 : i32
    return %c0_i32, %arg0, %c0_i32_0 : i32, i32, i32
  }
  func.func @transform_3(%arg0: i32) -> (i32, i32) {
    %c0_i32 = arith.constant 0 : i32
    %c0_i32_0 = arith.constant 0 : i32
    %c0_i32_1 = arith.constant 0 : i32
    return %c0_i32, %c0_i32_0 : i32, i32
  }
  func.func @transform_4(%arg0: i32) -> (i32, i32) {
    %c0_i32 = arith.constant 0 : i32
    %c0_i32_0 = arith.constant 0 : i32
    %c0_i32_1 = arith.constant 0 : i32
    return %c0_i32, %c0_i32_0 : i32, i32
  }
  func.func @transform_5(%arg0: i32) -> (i32, i32) {
    %c0_i32 = arith.constant 0 : i32
    %c0_i32_0 = arith.constant 0 : i32
    return %arg0, %c0_i32 : i32, i32
  }
}

module attributes {stable_mosaic.version = 14 : i64} {
  func.func @_tc3_body(%arg0: i32, %arg1: memref<2x10112x128xf32, #tpu.memory_space<vmem>>, %arg2: memref<10112x128xf32, #tpu.memory_space<vmem>>, %arg3: memref<2x10112x16xf32, #tpu.memory_space<vmem>>, %arg4: memref<1x128xf32, #tpu.memory_space<vmem>>, %arg5: memref<10112x1xi32, #tpu.memory_space<vmem>>, %arg6: memref<128x16xf32, #tpu.memory_space<vmem>>, %arg7: memref<1x16xf32, #tpu.memory_space<vmem>>, %arg8: memref<64x16xf32, #tpu.memory_space<vmem>>) attributes {dimension_semantics = [#tpu.dimension_semantics<arbitrary>], iteration_bounds = array<i64: 1>, scalar_prefetch = 0 : i64, scratch_operands = 0 : i64, tpu.core_type = #tpu.core_type<tc>, window_params = [{pipeline_mode = #tpu.pipeline_mode<synchronous>, transform_indices = @transform_0, window_bounds = array<i64: 2, 10112, 128>}, {pipeline_mode = #tpu.pipeline_mode<synchronous>, transform_indices = @transform_1, window_bounds = array<i64: 10112, 128>}, {pipeline_mode = #tpu.pipeline_mode<synchronous>, transform_indices = @transform_2, window_bounds = array<i64: 2, 10112, 16>}, {pipeline_mode = #tpu.pipeline_mode<synchronous>, transform_indices = @transform_3, window_bounds = array<i64: 1, 128>}, {pipeline_mode = #tpu.pipeline_mode<synchronous>, transform_indices = @transform_4, window_bounds = array<i64: 10112, 1>}, {pipeline_mode = #tpu.pipeline_mode<synchronous>, transform_indices = @transform_5, window_bounds = array<i64: 128, 16>}, {pipeline_mode = #tpu.pipeline_mode<synchronous>, transform_indices = @transform_6, window_bounds = array<i64: 1, 16>}, {pipeline_mode = #tpu.pipeline_mode<synchronous>, transform_indices = @transform_7, window_bounds = array<i64: 64, 16>}]} {
    %get3A = arith.constant 0 : index
    %get3A_0 = arith.constant 0 : index
    %get3A_1 = arith.constant 0 : index
    %get3A_2 = vector.load %arg3[%get3A, %get3A_0, %get3A_1] : memref<2x10112x16xf32, #tpu.memory_space<vmem>>, vector<1x10112x16xf32>
    %get3A_3 = vector.shape_cast %get3A_2 : vector<1x10112x16xf32> to vector<10112x16xf32>
    %slice3A = vector.extract_strided_slice %get3A_3 {offsets = [0, 0], sizes = [10112, 1], strides = [1, 1]} : vector<10112x16xf32> to vector<10112x1xf32>
    %get3A_4 = arith.constant 1 : index
    %get3A_5 = arith.constant 0 : index
    %get3A_6 = arith.constant 0 : index
    %get3A_7 = vector.load %arg3[%get3A_4, %get3A_5, %get3A_6] : memref<2x10112x16xf32, #tpu.memory_space<vmem>>, vector<1x10112x16xf32>
    %get3A_8 = vector.shape_cast %get3A_7 : vector<1x10112x16xf32> to vector<10112x16xf32>
    %slice3A_9 = vector.extract_strided_slice %get3A_8 {offsets = [0, 0], sizes = [10112, 1], strides = [1, 1]} : vector<10112x16xf32> to vector<10112x1xf32>
    %add3A = arith.addf %slice3A, %slice3A_9 : vector<10112x1xf32>
    %add3A_10 = arith.constant 1.000000e+00 : f32
    %add3A_11 = vector.broadcast %add3A_10 : f32 to vector<10112x1xf32>
    %add3A_12 = arith.addf %add3A, %add3A_11 : vector<10112x1xf32>
    %rsqrt3A = math.rsqrt %add3A_12 : vector<10112x1xf32>
    %get3A_13 = arith.constant 0 : index
    %get3A_14 = arith.constant 0 : index
    %get3A_15 = arith.constant 0 : index
    %get3A_16 = vector.load %arg1[%get3A_13, %get3A_14, %get3A_15] : memref<2x10112x128xf32, #tpu.memory_space<vmem>>, vector<1x10112x128xf32>
    %get3A_17 = vector.shape_cast %get3A_16 : vector<1x10112x128xf32> to vector<10112x128xf32>
    %get3A_18 = arith.constant 1 : index
    %get3A_19 = arith.constant 0 : index
    %get3A_20 = arith.constant 0 : index
    %get3A_21 = vector.load %arg1[%get3A_18, %get3A_19, %get3A_20] : memref<2x10112x128xf32, #tpu.memory_space<vmem>>, vector<1x10112x128xf32>
    %get3A_22 = vector.shape_cast %get3A_21 : vector<1x10112x128xf32> to vector<10112x128xf32>
    %add3A_23 = arith.addf %get3A_17, %get3A_22 : vector<10112x128xf32>
    %get3A_24 = arith.constant 0 : index
    %get3A_25 = arith.constant 0 : index
    %get3A_26 = vector.load %arg2[%get3A_24, %get3A_25] : memref<10112x128xf32, #tpu.memory_space<vmem>>, vector<10112x128xf32>
    %add3A_27 = arith.addf %add3A_23, %get3A_26 : vector<10112x128xf32>
    %mul3A = vector.broadcast %rsqrt3A : vector<10112x1xf32> to vector<10112x128xf32>
    %mul3A_28 = arith.mulf %mul3A, %add3A_27 : vector<10112x128xf32>
    %get3A_29 = arith.constant 0 : index
    %get3A_30 = arith.constant 0 : index
    %get3A_31 = vector.load %arg4[%get3A_29, %get3A_30] : memref<1x128xf32, #tpu.memory_space<vmem>>, vector<1x128xf32>
    %add3A_32 = vector.broadcast %get3A_31 : vector<1x128xf32> to vector<10112x128xf32>
    %add3A_33 = arith.addf %mul3A_28, %add3A_32 : vector<10112x128xf32>
    %max3A = arith.constant 0.000000e+00 : f32
    %max3A_34 = vector.broadcast %max3A : f32 to vector<10112x128xf32>
    %max3A_35 = arith.maximumf %add3A_33, %max3A_34 : vector<10112x128xf32>
    %get3A_36 = arith.constant 0 : index
    %get3A_37 = arith.constant 0 : index
    %get3A_38 = vector.load %arg5[%get3A_36, %get3A_37] : memref<10112x1xi32, #tpu.memory_space<vmem>>, vector<10112x1xi32>
    %iota3A = tpu.iota {dimensions = array<i32: 1>} : vector<1x64xi32>
    %eq3A = vector.broadcast %get3A_38 : vector<10112x1xi32> to vector<10112x64xi32>
    %eq3A_39 = vector.broadcast %iota3A : vector<1x64xi32> to vector<10112x64xi32>
    %eq3A_40 = arith.cmpi eq, %eq3A, %eq3A_39 : vector<10112x64xi32>
    %convert_element_type3A = arith.extui %eq3A_40 : vector<10112x64xi1> to vector<10112x64xi32>
    %convert_element_type3A_41 = arith.sitofp %convert_element_type3A : vector<10112x64xi32> to vector<10112x64xf32>
    %dot_general3A = arith.constant dense<0.000000e+00> : vector<64x128xf32>
    %dot_general3A_42 = tpu.matmul %convert_element_type3A_41, %max3A_35, %dot_general3A {dimension_numbers = #tpu.dot_dimension_numbers<[0], [0], [1], [1], [0, 1, 1, 1], [], []>, transpose_lhs_hint = false} : vector<10112x64xf32>, vector<10112x128xf32>, vector<64x128xf32> -> vector<64x128xf32>
    %reduce_sum3A = arith.constant dense<0.000000e+00> : vector<64xf32>
    %reduce_sum3A_43 = vector.multi_reduction <add>, %convert_element_type3A_41, %reduce_sum3A [0] : vector<10112x64xf32> to vector<64xf32>
    %broadcast_in_dim3A = vector.shape_cast %reduce_sum3A_43 : vector<64xf32> to vector<64x1xf32>
    %max3A_44 = arith.constant 1.000000e+00 : f32
    %max3A_45 = vector.broadcast %max3A_44 : f32 to vector<64x1xf32>
    %max3A_46 = arith.maximumf %broadcast_in_dim3A, %max3A_45 : vector<64x1xf32>
    %div3A = vector.broadcast %max3A_46 : vector<64x1xf32> to vector<64x128xf32>
    %div3A_47 = arith.divf %dot_general3A_42, %div3A : vector<64x128xf32>
    %get3A_48 = arith.constant 0 : index
    %get3A_49 = arith.constant 0 : index
    %get3A_50 = vector.load %arg6[%get3A_48, %get3A_49] : memref<128x16xf32, #tpu.memory_space<vmem>>, vector<128x16xf32>
    %dot_general3A_51 = arith.constant dense<0.000000e+00> : vector<64x16xf32>
    %dot_general3A_52 = tpu.matmul %div3A_47, %get3A_50, %dot_general3A_51 {dimension_numbers = #tpu.dot_dimension_numbers<[1], [0], [0], [1], [0, 0, 1, 1], [], []>, transpose_lhs_hint = false} : vector<64x128xf32>, vector<128x16xf32>, vector<64x16xf32> -> vector<64x16xf32>
    %get3A_53 = arith.constant 0 : index
    %get3A_54 = arith.constant 0 : index
    %get3A_55 = vector.load %arg7[%get3A_53, %get3A_54] : memref<1x16xf32, #tpu.memory_space<vmem>>, vector<1x16xf32>
    %add3A_56 = vector.broadcast %get3A_55 : vector<1x16xf32> to vector<64x16xf32>
    %add3A_57 = arith.addf %dot_general3A_52, %add3A_56 : vector<64x16xf32>
    %logistic3A = arith.negf %add3A_57 : vector<64x16xf32>
    %logistic3A_58 = math.exp %logistic3A : vector<64x16xf32>
    %logistic3A_59 = arith.constant 1.000000e+00 : f32
    %logistic3A_60 = vector.broadcast %logistic3A_59 : f32 to vector<64x16xf32>
    %logistic3A_61 = arith.addf %logistic3A_60, %logistic3A_58 : vector<64x16xf32>
    %logistic3A_62 = arith.divf %logistic3A_60, %logistic3A_61 : vector<64x16xf32>
    %swap3A = arith.constant 0 : index
    %swap3A_63 = arith.constant 0 : index
    %swap3A_64 = vector.load %arg8[%swap3A, %swap3A_63] : memref<64x16xf32, #tpu.memory_space<vmem>>, vector<64x16xf32>
    tpu.vector_store %arg8[%swap3A, %swap3A_63], %logistic3A_62 {strides = array<i32>} : memref<64x16xf32, #tpu.memory_space<vmem>>, vector<64x16xf32>,
    return
  }
  func.func @transform_0(%arg0: i32) -> (i32, i32, i32) {
    %c0_i32 = arith.constant 0 : i32
    %c0_i32_0 = arith.constant 0 : i32
    %c0_i32_1 = arith.constant 0 : i32
    %c0_i32_2 = arith.constant 0 : i32
    return %c0_i32, %c0_i32_0, %c0_i32_1 : i32, i32, i32
  }
  func.func @transform_1(%arg0: i32) -> (i32, i32) {
    %c0_i32 = arith.constant 0 : i32
    %c0_i32_0 = arith.constant 0 : i32
    %c0_i32_1 = arith.constant 0 : i32
    return %c0_i32, %c0_i32_0 : i32, i32
  }
  func.func @transform_2(%arg0: i32) -> (i32, i32, i32) {
    %c0_i32 = arith.constant 0 : i32
    %c0_i32_0 = arith.constant 0 : i32
    %c0_i32_1 = arith.constant 0 : i32
    %c0_i32_2 = arith.constant 0 : i32
    return %c0_i32, %c0_i32_0, %c0_i32_1 : i32, i32, i32
  }
  func.func @transform_3(%arg0: i32) -> (i32, i32) {
    %c0_i32 = arith.constant 0 : i32
    %c0_i32_0 = arith.constant 0 : i32
    %c0_i32_1 = arith.constant 0 : i32
    return %c0_i32, %c0_i32_0 : i32, i32
  }
  func.func @transform_4(%arg0: i32) -> (i32, i32) {
    %c0_i32 = arith.constant 0 : i32
    %c0_i32_0 = arith.constant 0 : i32
    %c0_i32_1 = arith.constant 0 : i32
    return %c0_i32, %c0_i32_0 : i32, i32
  }
  func.func @transform_5(%arg0: i32) -> (i32, i32) {
    %c0_i32 = arith.constant 0 : i32
    %c0_i32_0 = arith.constant 0 : i32
    %c0_i32_1 = arith.constant 0 : i32
    return %c0_i32, %c0_i32_0 : i32, i32
  }
  func.func @transform_6(%arg0: i32) -> (i32, i32) {
    %c0_i32 = arith.constant 0 : i32
    %c0_i32_0 = arith.constant 0 : i32
    %c0_i32_1 = arith.constant 0 : i32
    return %c0_i32, %c0_i32_0 : i32, i32
  }
  func.func @transform_7(%arg0: i32) -> (i32, i32) {
    %c0_i32 = arith.constant 0 : i32
    %c0_i32_0 = arith.constant 0 : i32
    %c0_i32_1 = arith.constant 0 : i32
    return %c0_i32, %c0_i32_0 : i32, i32
  }
}

</mosaic_0001>

<sc_bundles>
// kernel: kernel.11.cloned.1.call-start
scs
__scs_entry_jumppad:
0x0: {  	(pc) =	sbr.rel $0x88, $3  }
0x1: {  	(tag) =	ssettag $0x0;
	lr =	simm.s32 $0x1  }
0x2: {  	[smem:$0x3F98] =	sst lr;
	_ =	strace $0xD0000000  }
0x3: {  	_ = 	snop  }
0x4: {  	_ = 	snop  }
0x5: {  	_ = 	snop  }
0x6: {  	_ = 	snop  }
0x7: {  	_ = 	snop  }
__scs_overlays_trampoline_lowered:
0x8: {  	[smem:$0x3FA7] =	sst s0  }
0x9: {  	[smem:$0x3FA8] =	sst s1  }
0xa: {  	[smem:$0x3FA9] =	sst s2  }
0xb: {  	[smem:$0x3FAA] =	sst s3  }
0xc: {  	[smem:$0x3FAB] =	sst s4  }
0xd: {  	[smem:$0x3FAC] =	sst s5  }
0xe: {  	[smem:$0x3FAD] =	sst s6  }
0xf: {  	[smem:$0x3FAE] =	sst s7  }
0x10: {  	[smem:$0x3FAF] =	sst s8  }
0x11: {  	[smem:$0x3FB0] =	sst s9;
	s0 =	simm.s32 @!p0 $0x0  }
0x12: {  	s1 =	sld [smem:$0x3F96];
	s0 =	simm.s32 @p0 $0x1  }
0x13: {  	[smem:$0x3FB1] =	sst s0;
	s0 =	simm.s32 @!p1 $0x0  }
0x14: {  	s2 =	sld [smem:$0x3F95];
	s0 =	simm.s32 @p1 $0x1  }
0x15: {  	[smem:$0x3FB2] =	sst s0;
	s0 =	simm.s32 @!p2 $0x0  }
0x16: {  	s3 =	sld [smem:$0x3FDB];
	s0 =	simm.s32 @p2 $0x1  }
0x17: {  	s4 =	simm.s32 $0x1BF5;
	[smem:$0x3FB4] =	sst s0  }
0x18: {  	s0 =	sld [smem:$0x3F97];
	_ =	swait.ge [sflag:s4], $0x0  }
0x19: {  	s7 =	sld [smem:$0x3F98]  }
0x1a: {  	s8 =	sadd.s32 $0xFFFFE003, lr  }
0x1b: {  	s9 =	sadd.s32 $0xFFFFFEF7, lr;
	s5 =	simm.s32 $0xFFFFFFFF;
	p2 =	slt.u32 s8, $0xFFFFF086  }
0x1c: {  	p1 =	slt.u32 s9, $0xF7A;
	s5 =	simm.s32 @!p2 $0x0  }
0x1d: {  	s5 =	simm.s32 @p1 $0x1;
	p0 =	seq.s32 s7, s2  }
0x1e: {  	s7 =	smul.u32 @!p0 $0xF7A, s2;
	p2 =	seq.s32 @!p0 s5, $0x0  }
0x1f: {  	s9 =	smul.u32 $0xF7A, s1;
	s8 =	simm.s32 @!p0 $0x1BF5;
	p2 =	por !p2, p0  }
0x20: {  	[sflag:s8] =	ssyncset.s32 @!p0 $0xFFFFF086;
	s6 =	sadd.s32 @!p0 s3, s7;
	s7 =	simm.s32 @!p0 $0x108  }
0x21: {  	s3 =	sadd.s32 s3, s9;
	s6 =	sadd.s32 @!p0 $0x88, s6;
	s7 =	simm.s32 @p2 $0x1082  }
0x22: {  	[simem:s7], [sflag:s8] =	dma.local @!p0 [hbm:s6], $0xF7A  }
0x23: {  	s9 =	sor.u32 $0xD0000000, s2;
	s6 =	simm.s32 $0x108;
	_ =	swait.ge @!p0 [sflag:s8], $0x0  }
0x24: {  	s3 =	sadd.s32 $0x88, s3;
	s6 =	simm.s32 @!p1 $0x1082;
	[sflag:s4] =	ssyncset.s32 $0xFFFFF086  }
0x25: {  	[simem:s6], [sflag:s4] =	dma.local [hbm:s3], $0xF7A  }
0x26: {  	[smem:$0x3F98] =	sst s1;
	(tag) =	ssettag s2;
	_ =	strace s9  }
0x27: {  	s1 =	sld [smem:$0x3FA8]  }
0x28: {  	s2 =	sld [smem:$0x3FA9]  }
0x29: {  	s4 =	sld [smem:$0x3FAB]  }
0x2a: {  	p0 =	seq.s32 s5, $0x0;
	s5 =	sld [smem:$0x3FAC]  }
0x2b: {  	s6 =	sld [smem:$0x3FAD]  }
0x2c: {  	s7 =	sld [smem:$0x3FAE]  }
0x2d: {  	s3 =	simm.s32 $0x108;
	s8 =	sld [smem:$0x3FAF]  }
0x2e: {  	s3 =	simm.s32 @!p0 $0x1082;
	s9 =	sld [smem:$0x3FB0]  }
0x2f: {  	lr =	sadd.s32 s0, s3;
	s0 =	sld [smem:$0x3FA7]  }
0x30: {  	s3 =	sld [smem:$0x3FAA]  }
0x31: {  	[smem:$0x3FB3] =	sst s10  }
0x32: {  	s10 =	sld [smem:$0x3FB1];
	_ =	sdelay $0x3  }
0x33: {  	p0 =	seq.s32 s10, $0x1;
	s10 =	sld [smem:$0x3FB3];
	_ =	sdelay $0x3  }
0x34: {  	[smem:$0x3FB3] =	sst s10  }
0x35: {  	s10 =	sld [smem:$0x3FB2];
	_ =	sdelay $0x3  }
0x36: {  	p1 =	seq.s32 s10, $0x1;
	s10 =	sld [smem:$0x3FB3];
	_ =	sdelay $0x3  }
0x37: {  	[smem:$0x3FB3] =	sst s10  }
0x38: {  	s10 =	sld [smem:$0x3FB4]  }
0x39: {  	_ = 	snop;
	(pc) =	sbr.ind lr, $3  }
0x3a: {  	_ = 	snop  }
0x3b: {  	_ = 	snop  }
0x3c: {  	p2 =	seq.s32 s10, $0x1;
	s10 =	sld [smem:$0x3FB3]  }
0x3d: {  	_ =	shalt  }
0x3e: {  	_ =	shalt  }
0x3f: {  	_ =	shalt  }
0x40: {  	_ =	shalt  }
0x41: {  	_ =	shalt  }
0x42: {  	_ =	shalt  }
0x43: {  	_ =	shalt  }
0x44: {  	_ =	shalt  }
0x45: {  	_ =	shalt  }
0x46: {  	_ =	shalt  }
0x47: {  	_ =	shalt  }
0x48: {  	_ =	shalt  }
0x49: {  	_ =	shalt  }
0x4a: {  	_ =	shalt  }
0x4b: {  	_ =	shalt  }
0x4c: {  	_ =	shalt  }
0x4d: {  	_ =	shalt  }
0x4e: {  	_ =	shalt  }
0x4f: {  	_ =	shalt  }
0x50: {  	_ =	shalt  }
0x51: {  	_ =	shalt  }
0x52: {  	_ =	shalt  }
0x53: {  	_ =	shalt  }
0x54: {  	_ =	shalt  }
0x55: {  	_ =	shalt  }
0x56: {  	_ =	shalt  }
0x57: {  	_ =	shalt  }
0x58: {  	_ =	shalt  }
0x59: {  	_ =	shalt  }
0x5a: {  	_ =	shalt  }
0x5b: {  	_ =	shalt  }
0x5c: {  	_ =	shalt  }
0x5d: {  	_ =	shalt  }
0x5e: {  	_ =	shalt  }
0x5f: {  	_ =	shalt  }
0x60: {  	_ =	shalt  }
0x61: {  	_ =	shalt  }
0x62: {  	_ =	shalt  }
0x63: {  	_ =	shalt  }
0x64: {  	_ =	shalt  }
0x65: {  	_ =	shalt  }
0x66: {  	_ =	shalt  }
0x67: {  	_ =	shalt  }
0x68: {  	_ =	shalt  }
0x69: {  	_ =	shalt  }
0x6a: {  	_ =	shalt  }
0x6b: {  	_ =	shalt  }
0x6c: {  	_ =	shalt  }
0x6d: {  	_ =	shalt  }
0x6e: {  	_ =	shalt  }
0x6f: {  	_ =	shalt  }
0x70: {  	_ =	shalt  }
0x71: {  	_ =	shalt  }
0x72: {  	_ =	shalt  }
0x73: {  	_ =	shalt  }
0x74: {  	_ =	shalt  }
0x75: {  	_ =	shalt  }
0x76: {  	_ =	shalt  }
0x77: {  	_ =	shalt  }
0x78: {  	_ =	shalt  }
0x79: {  	_ =	shalt  }
0x7a: {  	_ =	shalt  }
0x7b: {  	_ =	shalt  }
0x7c: {  	_ =	shalt  }
0x7d: {  	_ =	shalt  }
0x7e: {  	_ =	shalt  }
0x7f: {  	_ =	shalt  }
0x80: {  	_ =	shalt  }
0x81: {  	_ =	shalt  }
0x82: {  	_ =	shalt  }
0x83: {  	_ =	shalt  }
0x84: {  	_ =	shalt  }
0x85: {  	_ =	shalt  }
0x86: {  	_ =	shalt  }
0x87: {  	_ =	shalt  }
.Lfunc_end0:
.L_simem_size_0:
called_computation.1_lowered:
.L_overlay_start_0:
0x88: {  	s2 =	sld [smem:$0x3FD9]  }
0x89: {  	s3 =	sld [smem:$0x3FFE];
	_ =	sdelay $0x1  }
0x8a: {  	s1 =	srdreg.scid  }
0x8b: {  	s0 =	sand.u32 $0x1, s1  }
0x8c: {  	s16 =	sshll.u32 s0, $0xA;
	s2 =	sadd.s32 s3, s2  }
0x8d: {  	s2 =	sadd.s32 s2, s16  }
0x8e: {  	[smem:$0x3FBF] =	sst s2  }
0x8f: {  	_ = 	snop  }
0x90: {  	(tm) =	ssettm $0x1  }
0x91: {  	s17 =	sld [smem:$0x3FFB];
	_ =	sdelay $0x3  }
0x92: {  	_ =	strace s17  }
0x93: {  	s2 =	sld [smem:$0x3FFC];
	_ =	sdelay $0x3  }
0x94: {  	_ =	strace s2  }
0x95: {  	s2 =	sld [smem:$0x3FFD];
	_ =	sdelay $0x3  }
0x96: {  	_ =	strace s2  }
0x97: {  	_ =	strace $0x8FFFFFFF  }
0x98: {  	s18 =	sld [smem:$0x3FDB];
	_ =	sdelay $0x1  }
0x99: {  	s19 =	simm.s32 $_scs_section_size  }
0x9a: {  	s4 =	simm.s32 $_size__tile_overlayer_lowered;
	s5 =	simm.s32 $_tile_overlayer_lowered  }
0x9b: {  	s22 =	simm.s32 $0x1BFF;
	s21 =	sshll.u32 s5, $0x1;
	s2 =	sadd.s32 s19, s18  }
0x9c: {  	s6 =	simm.s32 $0x0;
	s20 =	sshll.u32 s4, $0x1;
	s4 =	sadd.s32 s21, s2  }
0x9d: {  	[timem:s6], [sflag:s22] =	dma.local [hbm:s4], s20  }
0x9e: {  	_ =	swait.ge [sflag:s22], s20  }
0x9f: {  	s3 =	ssub.s32 $0x0, s20;
	[sflag:s22] =	ssyncset.done $0x0  }
0xa0: {  	[sflag:s22] =	ssyncadd.s32 s3;
	_ =	sdelay $0x1  }
0xa1: {  	s23 =	simm.s32 $0x1B8B  }
0xa2: {  	_ =	swait.ge [sflag:s23], $0x1  }
0xa3: {  	[sflag:s23] =	ssyncset.done $0x0  }
0xa4: {  	s25 =	simm.s32 $0x1B8E;
	s24 =	sld [smem:$0x3FFE];
	[sflag:s23] =	ssyncadd.s32 $0xFFFFFFFF  }
0xa5: {  	s26 =	simm.s32 $execute0_lowered;
	[smem:$0x3FD2] =	sst s25  }
0xa6: {  	s4 =	sshll.u32 s26, $0x1;
	_ =	strace $0x80000049;
	[dreg:$0x1] =	wrdreg $0xFFFFFFFF  }
0xa7: {  	s28 =	simm.s32 $_size_execute0_lowered;
	s2 =	sadd.s32 s2, s4;
	[dreg:$0x0] =	wrdreg $0x0  }
0xa8: {  	s4 =	sshll.u32 s28, $0x1;
	[dreg:$0x2] =	wrdreg s2  }
0xa9: {  	[dreg:$0x3] =	wrdreg s4  }
0xaa: {  	[dreg:$0x4] =	wrdreg $0xC0  }
0xab: {  	_ =	task [dreg:s6], $0x5FFFF  }
0xac: {  	[dreg:$0x1] =	wrdreg $0xFFFFFFFF  }
0xad: {  	[dreg:$0x0] =	wrdreg $0x60  }
0xae: {  	[dreg:$0x2] =	wrdreg s24  }
0xaf: {  	[dreg:$0x3] =	wrdreg $0xC0000  }
0xb0: {  	[dreg:$0x4] =	wrdreg $0x9  }
0xb1: {  	_ =	task.clear_ibuf [dreg:s6], $0x5FFFF;
	_ =	strace $0x90000049  }
0xb2: {  	s29 =	simm.s32 $0x9;
	_ =	strace $0x8000004B  }
0xb3: {  	_ =	swait.ge [sflag:s29], $0x1  }
0xb4: {  	[sflag:s29] =	ssyncadd.s32 $0xFFFFFFFF  }
0xb5: {  	_ =	strace $0x9000004B  }
0xb6: {  	_ =	sfence  }
0xb7: {  	s30 =	sld [smem:$0x0];
	_ =	sdelay $0x2  }
0xb8: {  	s31 =	sshll.u32 s1, $0xD;
	s1 =	sshrl.u32 s1, $0x2  }
0xb9: {  	s3 =	sand.u32 $0x4000, s31;
	s1 =	sadd.s32 s1, s30  }
0xba: {  	s0 =	sor.u32 s3, s0;
	s1 =	sshll.u32 s1, $0x11  }
0xbb: {  	s0 =	sor.u32 s1, s0  }
0xbc: {  	s0 =	sadd.s32 $0x8F2B, s0  }
0xbd: {  	[sflag:s0] =	ssyncadd.remote.s32 $0x1  }
0xbe: {  	_ =	sfence.sel $0xFFFF  }
0xbf: {  	[dreg:$0x0] =	wrdreg $0xFFFFFFFF;
	(pc) =	sbr.abs _section_cstart, $3  }
0xc0: {  	[dreg:$0x1] =	wrdreg $0xFFFFFFFF  }
0xc1: {  	_ =	task.clear_ibuf [dreg:s6], $0x2FFFF;
	_ =	strace $0x9FFFFFFF  }
0xc2: {  	(tm) =	ssettm $0x7FFFFFFF  }
0xc3: {  	_ =	shalt  }
tec
execute0_lowered:
.L_overlay_start_1:
0x0: {  	(tag) =	ssettag $0x1  }
0x1: {  	s5 =	rddreg [dreg:$0x0]  }
0x2: {  	s2 =	rddreg [dreg:$0x1]  }
0x3: {  	s3 =	simm.s32 $0x0;
	s1 =	stileid.u32;
	s4 =	srdreg.scid  }
0x4: {  	s18 =	simm.s32 $0x80;
	s19 =	simm.s32 $0x4000;
	s20 =	simm.s32 $0x8000  }
0x5: {  	s21 =	simm.s32 $0x2;
	s22 =	simm.s32 $0x3;
	s23 =	simm.s32 $0x4  }
0x6: {  	s24 =	simm.s32 $0x5;
	s25 =	simm.s32 $0x0;
	[smem:$0x7FF] =	sst s3  }
0x7: {  	s6 =	smul.u32 $0x13C00, s1;
	s8 =	sand.u32 $0x1, s4;
	s4 =	sadd.s32 $0x2A00, s5  }
0x8: {  	s11 =	sadd.s32 $0x8DC00, s5;
	s12 =	sadd.s32 $0x83A00, s5;
	s10 =	smul.u32 $0x4F000, s1  }
0x9: {  	s30 =	sshll.u32 s1, $0x5;
	_ =	strace $0x8000004A;
	s7 =	smul.u32 $0x13C000, s8  }
0xa: {  	s28 =	ssub.s32 $0x2, s8;
	p0 =	seq.s32 s8, $0x0;
	s8 =	simm.s32 $0x20  }
0xb: {  	s17 =	sor.u32 $0x810, s30;
	s9 =	sshrl.u32 s6, $0x3;
	s13 =	sshrl.u32 s28, $0x1  }
0xc: {  	s29 =	sshrl.u32 s10, $0x2;
	s10 =	sshll.u32 s1, $0x7;
	s8 =	simm.s32 @!p0 $0x8  }
0xd: {  	s6 =	sadd.s32 s6, s7;
	s9 =	sadd.s32 s9, s5;
	s15 =	ssub.s32 s28, s13  }
0xe: {  	s16 =	sadd.s32 s29, s2;
	s13 =	sor.u32 $0x800, s30;
	s6 =	sshrl.u32 s6, $0x3  }
0xf: {  	s13 =	smov.u32 @p0 s10;
	s10 =	sor.u32 $0x40, s10;
	s14 =	sadd.s32 s6, s5  }
0x10: {  	s5 =	sadd.s32 $0x97E00, s9;
	s6 =	sshll.u32 s1, $0x6;
	s13 =	sshll.u32 s13, $0x4  }
0x11: {  	s17 =	smov.u32 @p0 s10;
	s7 =	sor.u32 $0x1C01, s6;
	s9 =	sadd.s32 s11, s13  }
0x12: {  	s10 =	sadd.s32 s12, s13;
	s31 =	sshll.u32 s17, $0x4;
	s13 =	sadd.s32 $0xBF600, s14  }
0x13: {  	s14 =	smax.u32 s15, $0x1;
	s15 =	sshrl.u32 s16, $0x3;
	s16 =	simm.s32 $0x1  }
0x14: {  	s17 =	simm.s32 $0x6;
	s11 =	sadd.s32 s11, s31;
	s12 =	sadd.s32 s12, s31  }
.LBB2_1:
0x15: {  	[spmem:s15], [sflag:s7] =	dma.local [hbm:s5], $0x2780  }
0x16: {  	_ =	swait.ge [sflag:s16], $0x2780  }
0x17: {  	[sflag:s16] =	ssyncset.done $0x0  }
0x18: {  	[sflag:s16] =	ssyncadd.s32 $0xFFFFD880  }
0x19: {  	[bflag:$0x0] =	sbarrier.arrive $0xFFFF  }
0x1a: {  	_ =	sdelay $0x7ff  }
0x1b: {  	_ =	sdelay $0x7ff  }
0x1c: {  	_ =	sdelay $0x7ff  }
0x1d: {  	_ =	sdelay $0x7ff  }
0x1e: {  	_ =	sdelay $0x7ff  }
0x1f: {  	_ =	sdelay $0x7ff  }
0x20: {  	_ =	sdelay $0x7ff  }
0x21: {  	_ =	sdelay $0x6b6  }
0x22: {  	[bflag:$0x0] =	sbarrier.arrive $0xFFFF  }
0x23: {  	[tilespmem:s3], [sflag:$0x6] =	stream.linear.gather [hbm4b:s9+s3], $0x2000, $0x38;
	[tilespmem:$0x1FC00] =	vst v63  }
0x24: {  	_ =	swait.ge [sflag:s17], $0x2000  }
0x25: {  	[sflag:s17] =	ssyncset.done $0x0  }
0x26: {  	s26 =	simm.s32 $0x2000;
	[sflag:s17] =	ssyncadd.s32 $0xFFFFE000  }
0x27: {  	[tilespmem:s26], [sflag:$0x6] =	stream.linear.gather [hbm4b:s10+s3], $0x2000, $0x38;
	[tilespmem:$0x1FC00] =	vst v63  }
0x28: {  	_ =	swait.ge [sflag:s17], $0x2000  }
0x29: {  	[sflag:s17] =	ssyncset.done $0x0  }
0x2a: {  	[sflag:s17] =	ssyncadd.s32 $0xFFFFE000  }
0x2b: {  	[tilespmem:s19], [sflag:$0x2] =	stream.indirect.gather [hbm4b:s4+s18], $0x80, s3, s18, $0xb8;
	[tilespmem:$0x1FC00] =	vst v63  }
0x2c: {  	s28 =	simm.s32 $0x80  }
0x2d: {  	[tilespmem:s20], [sflag:$0x3] =	stream.indirect.gather [hbm4b:s4+s18], $0x80, s28, s18, $0xb8;
	[tilespmem:$0x1FC00] =	vst v63  }
0x2e: {  	_ =	swait.ge [sflag:s21], $0x4000  }
0x2f: {  	[sflag:s21] =	ssyncset.done $0x0  }
0x30: {  	[sflag:s21] =	ssyncadd.s32 $0xFFFFC000  }
0x31: {  	[spmem:s2] =	stream.indirect.scatter.add.f32 [tilespmem:s19], [sflag:$0x4], $0x80, s26, s18, $0xb8;
	[tilespmem:$0x1FC00] =	vst v63  }
0x32: {  	_ =	swait.ge [sflag:s22], $0x4000  }
0x33: {  	[sflag:s22] =	ssyncset.done $0x0  }
0x34: {  	p0 =	sne.s32 s8, $0x1;
	s28 =	simm.s32 $0x2080;
	[sflag:s22] =	ssyncadd.s32 $0xFFFFC000  }
0x35: {  	[spmem:s2] =	stream.indirect.scatter.add.f32 [tilespmem:s20], [sflag:$0x5], $0x80, s28, s18, $0xb8;
	[tilespmem:$0x1FC00] =	vst v63  }
.Ltmp0:
0x36: {  	_ =	swait.ge [sflag:s23], $0x4000;
	(pc) =	sbr.rel @!p0 .LBB2_3-.Ltmp0, $4  }
0x37: {  	[sflag:s23] =	ssyncset.done $0x0  }
0x38: {  	[sflag:s23] =	ssyncadd.s32 $0xFFFFC000  }
0x39: {  	s29 =	sadd.s32 $0xFFFFFFFF, s8;
	_ =	swait.ge [sflag:s24], $0x4000  }
0x3a: {  	s30 =	simm.s32 $0x0;
	s31 =	simm.s32 $0x2000;
	[sflag:s24] =	ssyncset.done $0x0  }
.LBB2_2:
0x3b: {  	[sflag:s24] =	ssyncadd.s32 $0xFFFFC000;
	s30 =	sadd.s32 $0x100, s30;
	s31 =	sadd.s32 $0x100, s31  }
0x3c: {  	[tilespmem:s19], [sflag:$0x2] =	stream.indirect.gather [hbm4b:s4+s18], $0x80, s30, s18, $0xb8;
	[tilespmem:$0x1FC00] =	vst v63  }
0x3d: {  	p1 =	sne.s32 s29, $0x1;
	s29 =	sadd.s32 $0xFFFFFFFF, s29;
	s0 =	sadd.s32 $0x80, s30  }
0x3e: {  	[tilespmem:s20], [sflag:$0x3] =	stream.indirect.gather [hbm4b:s4+s18], $0x80, s0, s18, $0xb8;
	[tilespmem:$0x1FC00] =	vst v63  }
0x3f: {  	_ =	swait.ge [sflag:s21], $0x4000  }
0x40: {  	[sflag:s21] =	ssyncset.done $0x0  }
0x41: {  	[sflag:s21] =	ssyncadd.s32 $0xFFFFC000  }
0x42: {  	[spmem:s2] =	stream.indirect.scatter.add.f32 [tilespmem:s19], [sflag:$0x4], $0x80, s31, s18, $0xb8;
	[tilespmem:$0x1FC00] =	vst v63  }
0x43: {  	_ =	swait.ge [sflag:s22], $0x4000  }
0x44: {  	[sflag:s22] =	ssyncset.done $0x0  }
0x45: {  	s0 =	sadd.s32 $0x80, s31;
	[sflag:s22] =	ssyncadd.s32 $0xFFFFC000  }
0x46: {  	[spmem:s2] =	stream.indirect.scatter.add.f32 [tilespmem:s20], [sflag:$0x5], $0x80, s0, s18, $0xb8;
	[tilespmem:$0x1FC00] =	vst v63  }
.Ltmp1:
0x47: {  	_ =	swait.ge [sflag:s23], $0x4000;
	(pc) =	sbr.rel @p1 .LBB2_2-.Ltmp1, $4  }
0x48: {  	[sflag:s23] =	ssyncset.done $0x0  }
0x49: {  	[sflag:s23] =	ssyncadd.s32 $0xFFFFC000  }
0x4a: {  	_ =	swait.ge [sflag:s24], $0x4000  }
0x4b: {  	[sflag:s24] =	ssyncset.done $0x0  }
.LBB2_3:
0x4c: {  	[sflag:s24] =	ssyncadd.s32 $0xFFFFC000;
	s29 =	simm.s32 $0x0  }
0x4d: {  	[tilespmem:s29], [sflag:$0x6] =	stream.linear.gather [hbm4b:s11+s29], $0x2000, $0x38;
	[tilespmem:$0x1FC00] =	vst v63  }
0x4e: {  	_ =	swait.ge [sflag:s17], $0x2000  }
0x4f: {  	[sflag:s17] =	ssyncset.done $0x0  }
0x50: {  	[sflag:s17] =	ssyncadd.s32 $0xFFFFE000  }
0x51: {  	[tilespmem:s26], [sflag:$0x6] =	stream.linear.gather [hbm4b:s12+s29], $0x2000, $0x38;
	[tilespmem:$0x1FC00] =	vst v63  }
0x52: {  	_ =	swait.ge [sflag:s17], $0x2000  }
0x53: {  	[sflag:s17] =	ssyncset.done $0x0  }
0x54: {  	[sflag:s17] =	ssyncadd.s32 $0xFFFFE000  }
0x55: {  	[tilespmem:s19], [sflag:$0x2] =	stream.indirect.gather [hbm4b:s4+s18], $0x80, s29, s18, $0xb8;
	[tilespmem:$0x1FC00] =	vst v63  }
0x56: {  	s0 =	simm.s32 $0x80  }
0x57: {  	[tilespmem:s20], [sflag:$0x3] =	stream.indirect.gather [hbm4b:s4+s18], $0x80, s0, s18, $0xb8;
	[tilespmem:$0x1FC00] =	vst v63  }
0x58: {  	_ =	swait.ge [sflag:s21], $0x4000  }
0x59: {  	[sflag:s21] =	ssyncset.done $0x0  }
0x5a: {  	[sflag:s21] =	ssyncadd.s32 $0xFFFFC000  }
0x5b: {  	[spmem:s2] =	stream.indirect.scatter.add.f32 [tilespmem:s19], [sflag:$0x4], $0x80, s26, s18, $0xb8;
	[tilespmem:$0x1FC00] =	vst v63  }
0x5c: {  	_ =	swait.ge [sflag:s22], $0x4000  }
0x5d: {  	[sflag:s22] =	ssyncset.done $0x0  }
0x5e: {  	[sflag:s22] =	ssyncadd.s32 $0xFFFFC000  }
0x5f: {  	[spmem:s2] =	stream.indirect.scatter.add.f32 [tilespmem:s20], [sflag:$0x5], $0x80, s28, s18, $0xb8;
	[tilespmem:$0x1FC00] =	vst v63  }
.Ltmp2:
0x60: {  	_ =	swait.ge [sflag:s23], $0x4000;
	(pc) =	sbr.rel @!p0 .LBB2_5-.Ltmp2, $4  }
0x61: {  	[sflag:s23] =	ssyncset.done $0x0  }
0x62: {  	[sflag:s23] =	ssyncadd.s32 $0xFFFFC000  }
0x63: {  	_ =	swait.ge [sflag:s24], $0x4000  }
0x64: {  	s28 =	sadd.s32 $0xFFFFFFFF, s8;
	[sflag:s24] =	ssyncset.done $0x0  }
.LBB2_4:
0x65: {  	[sflag:s24] =	ssyncadd.s32 $0xFFFFC000;
	s29 =	sadd.s32 $0x100, s29;
	s26 =	sadd.s32 $0x100, s26  }
0x66: {  	[tilespmem:s19], [sflag:$0x2] =	stream.indirect.gather [hbm4b:s4+s18], $0x80, s29, s18, $0xb8;
	[tilespmem:$0x1FC00] =	vst v63  }
0x67: {  	p0 =	sne.s32 s28, $0x1;
	s28 =	sadd.s32 $0xFFFFFFFF, s28;
	s0 =	sadd.s32 $0x80, s29  }
0x68: {  	[tilespmem:s20], [sflag:$0x3] =	stream.indirect.gather [hbm4b:s4+s18], $0x80, s0, s18, $0xb8;
	[tilespmem:$0x1FC00] =	vst v63  }
0x69: {  	_ =	swait.ge [sflag:s21], $0x4000  }
0x6a: {  	[sflag:s21] =	ssyncset.done $0x0  }
0x6b: {  	[sflag:s21] =	ssyncadd.s32 $0xFFFFC000  }
0x6c: {  	[spmem:s2] =	stream.indirect.scatter.add.f32 [tilespmem:s19], [sflag:$0x4], $0x80, s26, s18, $0xb8;
	[tilespmem:$0x1FC00] =	vst v63  }
0x6d: {  	_ =	swait.ge [sflag:s22], $0x4000  }
0x6e: {  	[sflag:s22] =	ssyncset.done $0x0  }
0x6f: {  	s0 =	sadd.s32 $0x80, s26;
	[sflag:s22] =	ssyncadd.s32 $0xFFFFC000  }
0x70: {  	[spmem:s2] =	stream.indirect.scatter.add.f32 [tilespmem:s20], [sflag:$0x5], $0x80, s0, s18, $0xb8;
	[tilespmem:$0x1FC00] =	vst v63  }
.Ltmp3:
0x71: {  	_ =	swait.ge [sflag:s23], $0x4000;
	(pc) =	sbr.rel @p0 .LBB2_4-.Ltmp3, $4  }
0x72: {  	[sflag:s23] =	ssyncset.done $0x0  }
0x73: {  	[sflag:s23] =	ssyncadd.s32 $0xFFFFC000  }
0x74: {  	_ =	swait.ge [sflag:s24], $0x4000  }
0x75: {  	[sflag:s24] =	ssyncset.done $0x0  }
.LBB2_5:
0x76: {  	[sflag:s24] =	ssyncadd.s32 $0xFFFFC000  }
0x77: {  	[bflag:$0x0] =	sbarrier.arrive $0xFFFF  }
0x78: {  	_ =	sdelay $0x7ff  }
0x79: {  	_ =	sdelay $0x7ff  }
0x7a: {  	_ =	sdelay $0x7ff  }
0x7b: {  	s25 =	sadd.s32 $0x1, s25;
	_ =	sdelay $0x7ff  }
0x7c: {  	p0 =	sne.s32 s25, s14;
	_ =	sdelay $0x35b  }
.Ltmp4:
0x7d: {  	s0 =	sor.u32 $0x1C06, s6;
	[bflag:$0x0] =	sbarrier.arrive $0xFFFF;
	(pc) =	sbr.rel @p0 .LBB2_1-.Ltmp4, $4  }
0x7e: {  	[hbm:s13], [sflag:s0] =	dma.local [spmem:s15], $0x2780  }
0x7f: {  	_ =	swait.ge [sflag:s17], $0x2780  }
0x80: {  	[sflag:s17] =	ssyncset.done $0x0  }
0x81: {  	[sflag:s17] =	ssyncadd.s32 $0xFFFFD880  }
0x82: {  	_ =	sfence.sel $0x180000  }
0x83: {  	[bflag:$0x0] =	sbarrier.arrive $0xFFFF  }
0x84: {  	_ =	strace $0x9000004A  }
0x85: {  	[bflag:$0x2] =	sbarrier.arrive $0xFFFF  }
0x86: {  	p0 =	sne.s32 s1, $0x0;
	s0 =	rddreg [dreg:$0x2]  }
0x87: {  	s0 =	sadd.s32 @!p0 $0x100000, s0  }
0x88: {  	[sflag:s0] =	ssyncadd.tile.s32 @!p0 $0x1;
	_ =	shalt  }
.Lfunc_end2:
_tile_overlayer_lowered:
.L_overlay_start_2:
0x89: {  	(tag) =	ssettag $0x2  }
0x8a: {  	s0 =	rddreg [dreg:$0x0];
	s2 =	stileid.u32  }
0x8b: {  	s1 =	rddreg [dreg:$0x1];
	p0 =	sne.s32 s2, $0x0  }
0x8c: {  	s3 =	rddreg [dreg:$0x2];
	[bflag:$0x3] =	sbarrier.arrive $0xFFFF;
	s2 =	simm.s32 @!p0 $0x1C06  }
0x8d: {  	[timem:s3], [sflag:s2] =	dma.local @!p0 [hbm:s0], s1  }
0x8e: {  	s0 =	simm.s32 @!p0 $0x6  }
0x8f: {  	_ =	swait.ge @!p0 [sflag:s0], s1  }
0x90: {  	s1 =	ssub.s32 @!p0 $0x0, s1;
	[sflag:s0] =	ssyncset.done @!p0 $0x0  }
0x91: {  	[sflag:s0] =	ssyncadd.s32 @!p0 s1  }
0x92: {  	[bflag:$0x3] =	sbarrier.arrive $0xFFFF  }
0x93: {  	_ =	shalt  }

// kernel: kernel.14.cloned.1.call-start
scs
__scs_entry_jumppad:
0x0: {  	(pc) =	sbr.rel $0x88, $3  }
0x1: {  	(tag) =	ssettag $0x0;
	lr =	simm.s32 $0x1  }
0x2: {  	[smem:$0x3F98] =	sst lr;
	_ =	strace $0xD0000000  }
0x3: {  	_ = 	snop  }
0x4: {  	_ = 	snop  }
0x5: {  	_ = 	snop  }
0x6: {  	_ = 	snop  }
0x7: {  	_ = 	snop  }
__scs_overlays_trampoline_lowered:
0x8: {  	[smem:$0x3FA7] =	sst s0  }
0x9: {  	[smem:$0x3FA8] =	sst s1  }
0xa: {  	[smem:$0x3FA9] =	sst s2  }
0xb: {  	[smem:$0x3FAA] =	sst s3  }
0xc: {  	[smem:$0x3FAB] =	sst s4  }
0xd: {  	[smem:$0x3FAC] =	sst s5  }
0xe: {  	[smem:$0x3FAD] =	sst s6  }
0xf: {  	[smem:$0x3FAE] =	sst s7  }
0x10: {  	[smem:$0x3FAF] =	sst s8  }
0x11: {  	[smem:$0x3FB0] =	sst s9;
	s0 =	simm.s32 @!p0 $0x0  }
0x12: {  	s1 =	sld [smem:$0x3F96];
	s0 =	simm.s32 @p0 $0x1  }
0x13: {  	[smem:$0x3FB1] =	sst s0;
	s0 =	simm.s32 @!p1 $0x0  }
0x14: {  	s2 =	sld [smem:$0x3F95];
	s0 =	simm.s32 @p1 $0x1  }
0x15: {  	[smem:$0x3FB2] =	sst s0;
	s0 =	simm.s32 @!p2 $0x0  }
0x16: {  	s3 =	sld [smem:$0x3FDB];
	s0 =	simm.s32 @p2 $0x1  }
0x17: {  	s4 =	simm.s32 $0x1BF5;
	[smem:$0x3FB4] =	sst s0  }
0x18: {  	s0 =	sld [smem:$0x3F97];
	_ =	swait.ge [sflag:s4], $0x0  }
0x19: {  	s7 =	sld [smem:$0x3F98]  }
0x1a: {  	s8 =	sadd.s32 $0xFFFFE003, lr  }
0x1b: {  	s9 =	sadd.s32 $0xFFFFFEF7, lr;
	s5 =	simm.s32 $0xFFFFFFFF;
	p2 =	slt.u32 s8, $0xFFFFF086  }
0x1c: {  	p1 =	slt.u32 s9, $0xF7A;
	s5 =	simm.s32 @!p2 $0x0  }
0x1d: {  	s5 =	simm.s32 @p1 $0x1;
	p0 =	seq.s32 s7, s2  }
0x1e: {  	s7 =	smul.u32 @!p0 $0xF7A, s2;
	p2 =	seq.s32 @!p0 s5, $0x0  }
0x1f: {  	s9 =	smul.u32 $0xF7A, s1;
	s8 =	simm.s32 @!p0 $0x1BF5;
	p2 =	por !p2, p0  }
0x20: {  	[sflag:s8] =	ssyncset.s32 @!p0 $0xFFFFF086;
	s6 =	sadd.s32 @!p0 s3, s7;
	s7 =	simm.s32 @!p0 $0x108  }
0x21: {  	s3 =	sadd.s32 s3, s9;
	s6 =	sadd.s32 @!p0 $0x88, s6;
	s7 =	simm.s32 @p2 $0x1082  }
0x22: {  	[simem:s7], [sflag:s8] =	dma.local @!p0 [hbm:s6], $0xF7A  }
0x23: {  	s9 =	sor.u32 $0xD0000000, s2;
	s6 =	simm.s32 $0x108;
	_ =	swait.ge @!p0 [sflag:s8], $0x0  }
0x24: {  	s3 =	sadd.s32 $0x88, s3;
	s6 =	simm.s32 @!p1 $0x1082;
	[sflag:s4] =	ssyncset.s32 $0xFFFFF086  }
0x25: {  	[simem:s6], [sflag:s4] =	dma.local [hbm:s3], $0xF7A  }
0x26: {  	[smem:$0x3F98] =	sst s1;
	(tag) =	ssettag s2;
	_ =	strace s9  }
0x27: {  	s1 =	sld [smem:$0x3FA8]  }
0x28: {  	s2 =	sld [smem:$0x3FA9]  }
0x29: {  	s4 =	sld [smem:$0x3FAB]  }
0x2a: {  	p0 =	seq.s32 s5, $0x0;
	s5 =	sld [smem:$0x3FAC]  }
0x2b: {  	s6 =	sld [smem:$0x3FAD]  }
0x2c: {  	s7 =	sld [smem:$0x3FAE]  }
0x2d: {  	s3 =	simm.s32 $0x108;
	s8 =	sld [smem:$0x3FAF]  }
0x2e: {  	s3 =	simm.s32 @!p0 $0x1082;
	s9 =	sld [smem:$0x3FB0]  }
0x2f: {  	lr =	sadd.s32 s0, s3;
	s0 =	sld [smem:$0x3FA7]  }
0x30: {  	s3 =	sld [smem:$0x3FAA]  }
0x31: {  	[smem:$0x3FB3] =	sst s10  }
0x32: {  	s10 =	sld [smem:$0x3FB1];
	_ =	sdelay $0x3  }
0x33: {  	p0 =	seq.s32 s10, $0x1;
	s10 =	sld [smem:$0x3FB3];
	_ =	sdelay $0x3  }
0x34: {  	[smem:$0x3FB3] =	sst s10  }
0x35: {  	s10 =	sld [smem:$0x3FB2];
	_ =	sdelay $0x3  }
0x36: {  	p1 =	seq.s32 s10, $0x1;
	s10 =	sld [smem:$0x3FB3];
	_ =	sdelay $0x3  }
0x37: {  	[smem:$0x3FB3] =	sst s10  }
0x38: {  	s10 =	sld [smem:$0x3FB4]  }
0x39: {  	_ = 	snop;
	(pc) =	sbr.ind lr, $3  }
0x3a: {  	_ = 	snop  }
0x3b: {  	_ = 	snop  }
0x3c: {  	p2 =	seq.s32 s10, $0x1;
	s10 =	sld [smem:$0x3FB3]  }
0x3d: {  	_ =	shalt  }
0x3e: {  	_ =	shalt  }
0x3f: {  	_ =	shalt  }
0x40: {  	_ =	shalt  }
0x41: {  	_ =	shalt  }
0x42: {  	_ =	shalt  }
0x43: {  	_ =	shalt  }
0x44: {  	_ =	shalt  }
0x45: {  	_ =	shalt  }
0x46: {  	_ =	shalt  }
0x47: {  	_ =	shalt  }
0x48: {  	_ =	shalt  }
0x49: {  	_ =	shalt  }
0x4a: {  	_ =	shalt  }
0x4b: {  	_ =	shalt  }
0x4c: {  	_ =	shalt  }
0x4d: {  	_ =	shalt  }
0x4e: {  	_ =	shalt  }
0x4f: {  	_ =	shalt  }
0x50: {  	_ =	shalt  }
0x51: {  	_ =	shalt  }
0x52: {  	_ =	shalt  }
0x53: {  	_ =	shalt  }
0x54: {  	_ =	shalt  }
0x55: {  	_ =	shalt  }
0x56: {  	_ =	shalt  }
0x57: {  	_ =	shalt  }
0x58: {  	_ =	shalt  }
0x59: {  	_ =	shalt  }
0x5a: {  	_ =	shalt  }
0x5b: {  	_ =	shalt  }
0x5c: {  	_ =	shalt  }
0x5d: {  	_ =	shalt  }
0x5e: {  	_ =	shalt  }
0x5f: {  	_ =	shalt  }
0x60: {  	_ =	shalt  }
0x61: {  	_ =	shalt  }
0x62: {  	_ =	shalt  }
0x63: {  	_ =	shalt  }
0x64: {  	_ =	shalt  }
0x65: {  	_ =	shalt  }
0x66: {  	_ =	shalt  }
0x67: {  	_ =	shalt  }
0x68: {  	_ =	shalt  }
0x69: {  	_ =	shalt  }
0x6a: {  	_ =	shalt  }
0x6b: {  	_ =	shalt  }
0x6c: {  	_ =	shalt  }
0x6d: {  	_ =	shalt  }
0x6e: {  	_ =	shalt  }
0x6f: {  	_ =	shalt  }
0x70: {  	_ =	shalt  }
0x71: {  	_ =	shalt  }
0x72: {  	_ =	shalt  }
0x73: {  	_ =	shalt  }
0x74: {  	_ =	shalt  }
0x75: {  	_ =	shalt  }
0x76: {  	_ =	shalt  }
0x77: {  	_ =	shalt  }
0x78: {  	_ =	shalt  }
0x79: {  	_ =	shalt  }
0x7a: {  	_ =	shalt  }
0x7b: {  	_ =	shalt  }
0x7c: {  	_ =	shalt  }
0x7d: {  	_ =	shalt  }
0x7e: {  	_ =	shalt  }
0x7f: {  	_ =	shalt  }
0x80: {  	_ =	shalt  }
0x81: {  	_ =	shalt  }
0x82: {  	_ =	shalt  }
0x83: {  	_ =	shalt  }
0x84: {  	_ =	shalt  }
0x85: {  	_ =	shalt  }
0x86: {  	_ =	shalt  }
0x87: {  	_ =	shalt  }
.Lfunc_end0:
.L_simem_size_0:
called_computation.2_lowered:
.L_overlay_start_0:
0x88: {  	s2 =	sld [smem:$0x3FD9]  }
0x89: {  	s3 =	sld [smem:$0x3FFE];
	_ =	sdelay $0x1  }
0x8a: {  	s1 =	srdreg.scid  }
0x8b: {  	s0 =	sand.u32 $0x1, s1  }
0x8c: {  	s16 =	sshll.u32 s0, $0xA;
	s2 =	sadd.s32 s3, s2  }
0x8d: {  	s2 =	sadd.s32 s2, s16  }
0x8e: {  	[smem:$0x3FBF] =	sst s2  }
0x8f: {  	_ = 	snop  }
0x90: {  	(tm) =	ssettm $0x1  }
0x91: {  	s17 =	sld [smem:$0x3FFB];
	_ =	sdelay $0x3  }
0x92: {  	_ =	strace s17  }
0x93: {  	s2 =	sld [smem:$0x3FFC];
	_ =	sdelay $0x3  }
0x94: {  	_ =	strace s2  }
0x95: {  	s2 =	sld [smem:$0x3FFD];
	_ =	sdelay $0x3  }
0x96: {  	_ =	strace s2  }
0x97: {  	_ =	strace $0x8FFFFFFF  }
0x98: {  	s18 =	sld [smem:$0x3FDB];
	_ =	sdelay $0x1  }
0x99: {  	s19 =	simm.s32 $_scs_section_size  }
0x9a: {  	s4 =	simm.s32 $_size__tile_overlayer_lowered;
	s5 =	simm.s32 $_tile_overlayer_lowered  }
0x9b: {  	s22 =	simm.s32 $0x1BFF;
	s21 =	sshll.u32 s5, $0x1;
	s2 =	sadd.s32 s19, s18  }
0x9c: {  	s6 =	simm.s32 $0x0;
	s20 =	sshll.u32 s4, $0x1;
	s4 =	sadd.s32 s21, s2  }
0x9d: {  	[timem:s6], [sflag:s22] =	dma.local [hbm:s4], s20  }
0x9e: {  	_ =	swait.ge [sflag:s22], s20  }
0x9f: {  	s3 =	ssub.s32 $0x0, s20;
	[sflag:s22] =	ssyncset.done $0x0  }
0xa0: {  	[sflag:s22] =	ssyncadd.s32 s3;
	_ =	sdelay $0x1  }
0xa1: {  	s23 =	simm.s32 $0x1B8B  }
0xa2: {  	_ =	swait.ge [sflag:s23], $0x1  }
0xa3: {  	[sflag:s23] =	ssyncset.done $0x0  }
0xa4: {  	s25 =	simm.s32 $0x1B8E;
	s24 =	sld [smem:$0x3FFE];
	[sflag:s23] =	ssyncadd.s32 $0xFFFFFFFF  }
0xa5: {  	s26 =	simm.s32 $execute0_lowered;
	[smem:$0x3FD2] =	sst s25  }
0xa6: {  	s4 =	sshll.u32 s26, $0x1;
	_ =	strace $0x8000004C;
	[dreg:$0x1] =	wrdreg $0xFFFFFFFF  }
0xa7: {  	s28 =	simm.s32 $_size_execute0_lowered;
	s2 =	sadd.s32 s2, s4;
	[dreg:$0x0] =	wrdreg $0x0  }
0xa8: {  	s4 =	sshll.u32 s28, $0x1;
	[dreg:$0x2] =	wrdreg s2  }
0xa9: {  	[dreg:$0x3] =	wrdreg s4  }
0xaa: {  	[dreg:$0x4] =	wrdreg $0xC0  }
0xab: {  	_ =	task [dreg:s6], $0x5FFFF  }
0xac: {  	[dreg:$0x1] =	wrdreg $0xFFFFFFFF  }
0xad: {  	[dreg:$0x0] =	wrdreg $0x60  }
0xae: {  	[dreg:$0x2] =	wrdreg s24  }
0xaf: {  	[dreg:$0x3] =	wrdreg $0xC0000  }
0xb0: {  	[dreg:$0x4] =	wrdreg $0x9  }
0xb1: {  	_ =	task.clear_ibuf [dreg:s6], $0x5FFFF;
	_ =	strace $0x9000004C  }
0xb2: {  	s29 =	simm.s32 $0x9;
	_ =	strace $0x8000004E  }
0xb3: {  	_ =	swait.ge [sflag:s29], $0x1  }
0xb4: {  	[sflag:s29] =	ssyncadd.s32 $0xFFFFFFFF  }
0xb5: {  	_ =	strace $0x9000004E  }
0xb6: {  	_ =	sfence  }
0xb7: {  	s30 =	sld [smem:$0x0];
	_ =	sdelay $0x2  }
0xb8: {  	s31 =	sshll.u32 s1, $0xD;
	s1 =	sshrl.u32 s1, $0x2  }
0xb9: {  	s3 =	sand.u32 $0x4000, s31;
	s1 =	sadd.s32 s1, s30  }
0xba: {  	s0 =	sor.u32 s3, s0;
	s1 =	sshll.u32 s1, $0x11  }
0xbb: {  	s0 =	sor.u32 s1, s0  }
0xbc: {  	s0 =	sadd.s32 $0x8F2B, s0  }
0xbd: {  	[sflag:s0] =	ssyncadd.remote.s32 $0x1  }
0xbe: {  	_ =	sfence.sel $0xFFFF  }
0xbf: {  	[dreg:$0x0] =	wrdreg $0xFFFFFFFF;
	(pc) =	sbr.abs _section_cstart, $3  }
0xc0: {  	[dreg:$0x1] =	wrdreg $0xFFFFFFFF  }
0xc1: {  	_ =	task.clear_ibuf [dreg:s6], $0x2FFFF;
	_ =	strace $0x9FFFFFFF  }
0xc2: {  	(tm) =	ssettm $0x7FFFFFFF  }
0xc3: {  	_ =	shalt  }
tec
execute0_lowered:
.L_overlay_start_1:
0x0: {  	(tag) =	ssettag $0x1  }
0x1: {  	s5 =	rddreg [dreg:$0x0]  }
0x2: {  	s2 =	rddreg [dreg:$0x1]  }
0x3: {  	s3 =	simm.s32 $0x0;
	s1 =	stileid.u32;
	s4 =	srdreg.scid  }
0x4: {  	s18 =	simm.s32 $0x80;
	s19 =	simm.s32 $0x4000;
	s20 =	simm.s32 $0x8000  }
0x5: {  	s21 =	simm.s32 $0x2;
	s22 =	simm.s32 $0x3;
	s23 =	simm.s32 $0x4  }
0x6: {  	s24 =	simm.s32 $0x5;
	s25 =	simm.s32 $0x0;
	[smem:$0x7FF] =	sst s3  }
0x7: {  	s6 =	smul.u32 $0x13C00, s1;
	s8 =	sand.u32 $0x1, s4;
	s4 =	sadd.s32 $0x2A00, s5  }
0x8: {  	s11 =	sadd.s32 $0x8DC00, s5;
	s12 =	sadd.s32 $0x83A00, s5;
	s10 =	smul.u32 $0x4F000, s1  }
0x9: {  	s30 =	sshll.u32 s1, $0x5;
	_ =	strace $0x8000004D;
	s7 =	smul.u32 $0x13C000, s8  }
0xa: {  	s28 =	ssub.s32 $0x2, s8;
	p0 =	seq.s32 s8, $0x0;
	s8 =	simm.s32 $0x20  }
0xb: {  	s17 =	sor.u32 $0x810, s30;
	s9 =	sshrl.u32 s6, $0x3;
	s13 =	sshrl.u32 s28, $0x1  }
0xc: {  	s29 =	sshrl.u32 s10, $0x2;
	s10 =	sshll.u32 s1, $0x7;
	s8 =	simm.s32 @!p0 $0x8  }
0xd: {  	s6 =	sadd.s32 s6, s7;
	s9 =	sadd.s32 s9, s5;
	s15 =	ssub.s32 s28, s13  }
0xe: {  	s16 =	sadd.s32 s29, s2;
	s13 =	sor.u32 $0x800, s30;
	s6 =	sshrl.u32 s6, $0x3  }
0xf: {  	s13 =	smov.u32 @p0 s10;
	s10 =	sor.u32 $0x40, s10;
	s14 =	sadd.s32 s6, s5  }
0x10: {  	s5 =	sadd.s32 $0x97E00, s9;
	s6 =	sshll.u32 s1, $0x6;
	s13 =	sshll.u32 s13, $0x4  }
0x11: {  	s17 =	smov.u32 @p0 s10;
	s7 =	sor.u32 $0x1C01, s6;
	s9 =	sadd.s32 s11, s13  }
0x12: {  	s10 =	sadd.s32 s12, s13;
	s31 =	sshll.u32 s17, $0x4;
	s13 =	sadd.s32 $0xBF600, s14  }
0x13: {  	s14 =	smax.u32 s15, $0x1;
	s15 =	sshrl.u32 s16, $0x3;
	s16 =	simm.s32 $0x1  }
0x14: {  	s17 =	simm.s32 $0x6;
	s11 =	sadd.s32 s11, s31;
	s12 =	sadd.s32 s12, s31  }
.LBB2_1:
0x15: {  	[spmem:s15], [sflag:s7] =	dma.local [hbm:s5], $0x2780  }
0x16: {  	_ =	swait.ge [sflag:s16], $0x2780  }
0x17: {  	[sflag:s16] =	ssyncset.done $0x0  }
0x18: {  	[sflag:s16] =	ssyncadd.s32 $0xFFFFD880  }
0x19: {  	[bflag:$0x0] =	sbarrier.arrive $0xFFFF  }
0x1a: {  	_ =	sdelay $0x7ff  }
0x1b: {  	_ =	sdelay $0x7ff  }
0x1c: {  	_ =	sdelay $0x7ff  }
0x1d: {  	_ =	sdelay $0x7ff  }
0x1e: {  	_ =	sdelay $0x7ff  }
0x1f: {  	_ =	sdelay $0x7ff  }
0x20: {  	_ =	sdelay $0x7ff  }
0x21: {  	_ =	sdelay $0x6b6  }
0x22: {  	[bflag:$0x0] =	sbarrier.arrive $0xFFFF  }
0x23: {  	[tilespmem:s3], [sflag:$0x6] =	stream.linear.gather [hbm4b:s9+s3], $0x2000, $0x38;
	[tilespmem:$0x1FC00] =	vst v63  }
0x24: {  	_ =	swait.ge [sflag:s17], $0x2000  }
0x25: {  	[sflag:s17] =	ssyncset.done $0x0  }
0x26: {  	s26 =	simm.s32 $0x2000;
	[sflag:s17] =	ssyncadd.s32 $0xFFFFE000  }
0x27: {  	[tilespmem:s26], [sflag:$0x6] =	stream.linear.gather [hbm4b:s10+s3], $0x2000, $0x38;
	[tilespmem:$0x1FC00] =	vst v63  }
0x28: {  	_ =	swait.ge [sflag:s17], $0x2000  }
0x29: {  	[sflag:s17] =	ssyncset.done $0x0  }
0x2a: {  	[sflag:s17] =	ssyncadd.s32 $0xFFFFE000  }
0x2b: {  	[tilespmem:s19], [sflag:$0x2] =	stream.indirect.gather [hbm4b:s4+s18], $0x80, s3, s18, $0xb8;
	[tilespmem:$0x1FC00] =	vst v63  }
0x2c: {  	s28 =	simm.s32 $0x80  }
0x2d: {  	[tilespmem:s20], [sflag:$0x3] =	stream.indirect.gather [hbm4b:s4+s18], $0x80, s28, s18, $0xb8;
	[tilespmem:$0x1FC00] =	vst v63  }
0x2e: {  	_ =	swait.ge [sflag:s21], $0x4000  }
0x2f: {  	[sflag:s21] =	ssyncset.done $0x0  }
0x30: {  	[sflag:s21] =	ssyncadd.s32 $0xFFFFC000  }
0x31: {  	[spmem:s2] =	stream.indirect.scatter.add.f32 [tilespmem:s19], [sflag:$0x4], $0x80, s26, s18, $0xb8;
	[tilespmem:$0x1FC00] =	vst v63  }
0x32: {  	_ =	swait.ge [sflag:s22], $0x4000  }
0x33: {  	[sflag:s22] =	ssyncset.done $0x0  }
0x34: {  	p0 =	sne.s32 s8, $0x1;
	s28 =	simm.s32 $0x2080;
	[sflag:s22] =	ssyncadd.s32 $0xFFFFC000  }
0x35: {  	[spmem:s2] =	stream.indirect.scatter.add.f32 [tilespmem:s20], [sflag:$0x5], $0x80, s28, s18, $0xb8;
	[tilespmem:$0x1FC00] =	vst v63  }
.Ltmp0:
0x36: {  	_ =	swait.ge [sflag:s23], $0x4000;
	(pc) =	sbr.rel @!p0 .LBB2_3-.Ltmp0, $4  }
0x37: {  	[sflag:s23] =	ssyncset.done $0x0  }
0x38: {  	[sflag:s23] =	ssyncadd.s32 $0xFFFFC000  }
0x39: {  	s29 =	sadd.s32 $0xFFFFFFFF, s8;
	_ =	swait.ge [sflag:s24], $0x4000  }
0x3a: {  	s30 =	simm.s32 $0x0;
	s31 =	simm.s32 $0x2000;
	[sflag:s24] =	ssyncset.done $0x0  }
.LBB2_2:
0x3b: {  	[sflag:s24] =	ssyncadd.s32 $0xFFFFC000;
	s30 =	sadd.s32 $0x100, s30;
	s31 =	sadd.s32 $0x100, s31  }
0x3c: {  	[tilespmem:s19], [sflag:$0x2] =	stream.indirect.gather [hbm4b:s4+s18], $0x80, s30, s18, $0xb8;
	[tilespmem:$0x1FC00] =	vst v63  }
0x3d: {  	p1 =	sne.s32 s29, $0x1;
	s29 =	sadd.s32 $0xFFFFFFFF, s29;
	s0 =	sadd.s32 $0x80, s30  }
0x3e: {  	[tilespmem:s20], [sflag:$0x3] =	stream.indirect.gather [hbm4b:s4+s18], $0x80, s0, s18, $0xb8;
	[tilespmem:$0x1FC00] =	vst v63  }
0x3f: {  	_ =	swait.ge [sflag:s21], $0x4000  }
0x40: {  	[sflag:s21] =	ssyncset.done $0x0  }
0x41: {  	[sflag:s21] =	ssyncadd.s32 $0xFFFFC000  }
0x42: {  	[spmem:s2] =	stream.indirect.scatter.add.f32 [tilespmem:s19], [sflag:$0x4], $0x80, s31, s18, $0xb8;
	[tilespmem:$0x1FC00] =	vst v63  }
0x43: {  	_ =	swait.ge [sflag:s22], $0x4000  }
0x44: {  	[sflag:s22] =	ssyncset.done $0x0  }
0x45: {  	s0 =	sadd.s32 $0x80, s31;
	[sflag:s22] =	ssyncadd.s32 $0xFFFFC000  }
0x46: {  	[spmem:s2] =	stream.indirect.scatter.add.f32 [tilespmem:s20], [sflag:$0x5], $0x80, s0, s18, $0xb8;
	[tilespmem:$0x1FC00] =	vst v63  }
.Ltmp1:
0x47: {  	_ =	swait.ge [sflag:s23], $0x4000;
	(pc) =	sbr.rel @p1 .LBB2_2-.Ltmp1, $4  }
0x48: {  	[sflag:s23] =	ssyncset.done $0x0  }
0x49: {  	[sflag:s23] =	ssyncadd.s32 $0xFFFFC000  }
0x4a: {  	_ =	swait.ge [sflag:s24], $0x4000  }
0x4b: {  	[sflag:s24] =	ssyncset.done $0x0  }
.LBB2_3:
0x4c: {  	[sflag:s24] =	ssyncadd.s32 $0xFFFFC000;
	s29 =	simm.s32 $0x0  }
0x4d: {  	[tilespmem:s29], [sflag:$0x6] =	stream.linear.gather [hbm4b:s11+s29], $0x2000, $0x38;
	[tilespmem:$0x1FC00] =	vst v63  }
0x4e: {  	_ =	swait.ge [sflag:s17], $0x2000  }
0x4f: {  	[sflag:s17] =	ssyncset.done $0x0  }
0x50: {  	[sflag:s17] =	ssyncadd.s32 $0xFFFFE000  }
0x51: {  	[tilespmem:s26], [sflag:$0x6] =	stream.linear.gather [hbm4b:s12+s29], $0x2000, $0x38;
	[tilespmem:$0x1FC00] =	vst v63  }
0x52: {  	_ =	swait.ge [sflag:s17], $0x2000  }
0x53: {  	[sflag:s17] =	ssyncset.done $0x0  }
0x54: {  	[sflag:s17] =	ssyncadd.s32 $0xFFFFE000  }
0x55: {  	[tilespmem:s19], [sflag:$0x2] =	stream.indirect.gather [hbm4b:s4+s18], $0x80, s29, s18, $0xb8;
	[tilespmem:$0x1FC00] =	vst v63  }
0x56: {  	s0 =	simm.s32 $0x80  }
0x57: {  	[tilespmem:s20], [sflag:$0x3] =	stream.indirect.gather [hbm4b:s4+s18], $0x80, s0, s18, $0xb8;
	[tilespmem:$0x1FC00] =	vst v63  }
0x58: {  	_ =	swait.ge [sflag:s21], $0x4000  }
0x59: {  	[sflag:s21] =	ssyncset.done $0x0  }
0x5a: {  	[sflag:s21] =	ssyncadd.s32 $0xFFFFC000  }
0x5b: {  	[spmem:s2] =	stream.indirect.scatter.add.f32 [tilespmem:s19], [sflag:$0x4], $0x80, s26, s18, $0xb8;
	[tilespmem:$0x1FC00] =	vst v63  }
0x5c: {  	_ =	swait.ge [sflag:s22], $0x4000  }
0x5d: {  	[sflag:s22] =	ssyncset.done $0x0  }
0x5e: {  	[sflag:s22] =	ssyncadd.s32 $0xFFFFC000  }
0x5f: {  	[spmem:s2] =	stream.indirect.scatter.add.f32 [tilespmem:s20], [sflag:$0x5], $0x80, s28, s18, $0xb8;
	[tilespmem:$0x1FC00] =	vst v63  }
.Ltmp2:
0x60: {  	_ =	swait.ge [sflag:s23], $0x4000;
	(pc) =	sbr.rel @!p0 .LBB2_5-.Ltmp2, $4  }
0x61: {  	[sflag:s23] =	ssyncset.done $0x0  }
0x62: {  	[sflag:s23] =	ssyncadd.s32 $0xFFFFC000  }
0x63: {  	_ =	swait.ge [sflag:s24], $0x4000  }
0x64: {  	s28 =	sadd.s32 $0xFFFFFFFF, s8;
	[sflag:s24] =	ssyncset.done $0x0  }
.LBB2_4:
0x65: {  	[sflag:s24] =	ssyncadd.s32 $0xFFFFC000;
	s29 =	sadd.s32 $0x100, s29;
	s26 =	sadd.s32 $0x100, s26  }
0x66: {  	[tilespmem:s19], [sflag:$0x2] =	stream.indirect.gather [hbm4b:s4+s18], $0x80, s29, s18, $0xb8;
	[tilespmem:$0x1FC00] =	vst v63  }
0x67: {  	p0 =	sne.s32 s28, $0x1;
	s28 =	sadd.s32 $0xFFFFFFFF, s28;
	s0 =	sadd.s32 $0x80, s29  }
0x68: {  	[tilespmem:s20], [sflag:$0x3] =	stream.indirect.gather [hbm4b:s4+s18], $0x80, s0, s18, $0xb8;
	[tilespmem:$0x1FC00] =	vst v63  }
0x69: {  	_ =	swait.ge [sflag:s21], $0x4000  }
0x6a: {  	[sflag:s21] =	ssyncset.done $0x0  }
0x6b: {  	[sflag:s21] =	ssyncadd.s32 $0xFFFFC000  }
0x6c: {  	[spmem:s2] =	stream.indirect.scatter.add.f32 [tilespmem:s19], [sflag:$0x4], $0x80, s26, s18, $0xb8;
	[tilespmem:$0x1FC00] =	vst v63  }
0x6d: {  	_ =	swait.ge [sflag:s22], $0x4000  }
0x6e: {  	[sflag:s22] =	ssyncset.done $0x0  }
0x6f: {  	s0 =	sadd.s32 $0x80, s26;
	[sflag:s22] =	ssyncadd.s32 $0xFFFFC000  }
0x70: {  	[spmem:s2] =	stream.indirect.scatter.add.f32 [tilespmem:s20], [sflag:$0x5], $0x80, s0, s18, $0xb8;
	[tilespmem:$0x1FC00] =	vst v63  }
.Ltmp3:
0x71: {  	_ =	swait.ge [sflag:s23], $0x4000;
	(pc) =	sbr.rel @p0 .LBB2_4-.Ltmp3, $4  }
0x72: {  	[sflag:s23] =	ssyncset.done $0x0  }
0x73: {  	[sflag:s23] =	ssyncadd.s32 $0xFFFFC000  }
0x74: {  	_ =	swait.ge [sflag:s24], $0x4000  }
0x75: {  	[sflag:s24] =	ssyncset.done $0x0  }
.LBB2_5:
0x76: {  	[sflag:s24] =	ssyncadd.s32 $0xFFFFC000  }
0x77: {  	[bflag:$0x0] =	sbarrier.arrive $0xFFFF  }
0x78: {  	_ =	sdelay $0x7ff  }
0x79: {  	_ =	sdelay $0x7ff  }
0x7a: {  	_ =	sdelay $0x7ff  }
0x7b: {  	s25 =	sadd.s32 $0x1, s25;
	_ =	sdelay $0x7ff  }
0x7c: {  	p0 =	sne.s32 s25, s14;
	_ =	sdelay $0x35b  }
.Ltmp4:
0x7d: {  	s0 =	sor.u32 $0x1C06, s6;
	[bflag:$0x0] =	sbarrier.arrive $0xFFFF;
	(pc) =	sbr.rel @p0 .LBB2_1-.Ltmp4, $4  }
0x7e: {  	[hbm:s13], [sflag:s0] =	dma.local [spmem:s15], $0x2780  }
0x7f: {  	_ =	swait.ge [sflag:s17], $0x2780  }
0x80: {  	[sflag:s17] =	ssyncset.done $0x0  }
0x81: {  	[sflag:s17] =	ssyncadd.s32 $0xFFFFD880  }
0x82: {  	_ =	sfence.sel $0x180000  }
0x83: {  	[bflag:$0x0] =	sbarrier.arrive $0xFFFF  }
0x84: {  	_ =	strace $0x9000004D  }
0x85: {  	[bflag:$0x2] =	sbarrier.arrive $0xFFFF  }
0x86: {  	p0 =	sne.s32 s1, $0x0;
	s0 =	rddreg [dreg:$0x2]  }
0x87: {  	s0 =	sadd.s32 @!p0 $0x100000, s0  }
0x88: {  	[sflag:s0] =	ssyncadd.tile.s32 @!p0 $0x1;
	_ =	shalt  }
.Lfunc_end2:
_tile_overlayer_lowered:
.L_overlay_start_2:
0x89: {  	(tag) =	ssettag $0x2  }
0x8a: {  	s0 =	rddreg [dreg:$0x0];
	s2 =	stileid.u32  }
0x8b: {  	s1 =	rddreg [dreg:$0x1];
	p0 =	sne.s32 s2, $0x0  }
0x8c: {  	s3 =	rddreg [dreg:$0x2];
	[bflag:$0x3] =	sbarrier.arrive $0xFFFF;
	s2 =	simm.s32 @!p0 $0x1C06  }
0x8d: {  	[timem:s3], [sflag:s2] =	dma.local @!p0 [hbm:s0], s1  }
0x8e: {  	s0 =	simm.s32 @!p0 $0x6  }
0x8f: {  	_ =	swait.ge @!p0 [sflag:s0], s1  }
0x90: {  	s1 =	ssub.s32 @!p0 $0x0, s1;
	[sflag:s0] =	ssyncset.done @!p0 $0x0  }
0x91: {  	[sflag:s0] =	ssyncadd.s32 @!p0 s1  }
0x92: {  	[bflag:$0x3] =	sbarrier.arrive $0xFFFF  }
0x93: {  	_ =	shalt  }

// kernel: kernel.8.cloned.1.call-start
scs
__scs_entry_jumppad:
0x0: {  	(pc) =	sbr.rel $0x88, $3  }
0x1: {  	(tag) =	ssettag $0x0;
	lr =	simm.s32 $0x1  }
0x2: {  	[smem:$0x3F98] =	sst lr;
	_ =	strace $0xD0000000  }
0x3: {  	_ = 	snop  }
0x4: {  	_ = 	snop  }
0x5: {  	_ = 	snop  }
0x6: {  	_ = 	snop  }
0x7: {  	_ = 	snop  }
__scs_overlays_trampoline_lowered:
0x8: {  	[smem:$0x3FA7] =	sst s0  }
0x9: {  	[smem:$0x3FA8] =	sst s1  }
0xa: {  	[smem:$0x3FA9] =	sst s2  }
0xb: {  	[smem:$0x3FAA] =	sst s3  }
0xc: {  	[smem:$0x3FAB] =	sst s4  }
0xd: {  	[smem:$0x3FAC] =	sst s5  }
0xe: {  	[smem:$0x3FAD] =	sst s6  }
0xf: {  	[smem:$0x3FAE] =	sst s7  }
0x10: {  	[smem:$0x3FAF] =	sst s8  }
0x11: {  	[smem:$0x3FB0] =	sst s9;
	s0 =	simm.s32 @!p0 $0x0  }
0x12: {  	s1 =	sld [smem:$0x3F96];
	s0 =	simm.s32 @p0 $0x1  }
0x13: {  	[smem:$0x3FB1] =	sst s0;
	s0 =	simm.s32 @!p1 $0x0  }
0x14: {  	s2 =	sld [smem:$0x3F95];
	s0 =	simm.s32 @p1 $0x1  }
0x15: {  	[smem:$0x3FB2] =	sst s0;
	s0 =	simm.s32 @!p2 $0x0  }
0x16: {  	s3 =	sld [smem:$0x3FDB];
	s0 =	simm.s32 @p2 $0x1  }
0x17: {  	s4 =	simm.s32 $0x1BF5;
	[smem:$0x3FB4] =	sst s0  }
0x18: {  	s0 =	sld [smem:$0x3F97];
	_ =	swait.ge [sflag:s4], $0x0  }
0x19: {  	s7 =	sld [smem:$0x3F98]  }
0x1a: {  	s8 =	sadd.s32 $0xFFFFE003, lr  }
0x1b: {  	s9 =	sadd.s32 $0xFFFFFEF7, lr;
	s5 =	simm.s32 $0xFFFFFFFF;
	p2 =	slt.u32 s8, $0xFFFFF086  }
0x1c: {  	p1 =	slt.u32 s9, $0xF7A;
	s5 =	simm.s32 @!p2 $0x0  }
0x1d: {  	s5 =	simm.s32 @p1 $0x1;
	p0 =	seq.s32 s7, s2  }
0x1e: {  	s7 =	smul.u32 @!p0 $0xF7A, s2;
	p2 =	seq.s32 @!p0 s5, $0x0  }
0x1f: {  	s9 =	smul.u32 $0xF7A, s1;
	s8 =	simm.s32 @!p0 $0x1BF5;
	p2 =	por !p2, p0  }
0x20: {  	[sflag:s8] =	ssyncset.s32 @!p0 $0xFFFFF086;
	s6 =	sadd.s32 @!p0 s3, s7;
	s7 =	simm.s32 @!p0 $0x108  }
0x21: {  	s3 =	sadd.s32 s3, s9;
	s6 =	sadd.s32 @!p0 $0x88, s6;
	s7 =	simm.s32 @p2 $0x1082  }
0x22: {  	[simem:s7], [sflag:s8] =	dma.local @!p0 [hbm:s6], $0xF7A  }
0x23: {  	s9 =	sor.u32 $0xD0000000, s2;
	s6 =	simm.s32 $0x108;
	_ =	swait.ge @!p0 [sflag:s8], $0x0  }
0x24: {  	s3 =	sadd.s32 $0x88, s3;
	s6 =	simm.s32 @!p1 $0x1082;
	[sflag:s4] =	ssyncset.s32 $0xFFFFF086  }
0x25: {  	[simem:s6], [sflag:s4] =	dma.local [hbm:s3], $0xF7A  }
0x26: {  	[smem:$0x3F98] =	sst s1;
	(tag) =	ssettag s2;
	_ =	strace s9  }
0x27: {  	s1 =	sld [smem:$0x3FA8]  }
0x28: {  	s2 =	sld [smem:$0x3FA9]  }
0x29: {  	s4 =	sld [smem:$0x3FAB]  }
0x2a: {  	p0 =	seq.s32 s5, $0x0;
	s5 =	sld [smem:$0x3FAC]  }
0x2b: {  	s6 =	sld [smem:$0x3FAD]  }
0x2c: {  	s7 =	sld [smem:$0x3FAE]  }
0x2d: {  	s3 =	simm.s32 $0x108;
	s8 =	sld [smem:$0x3FAF]  }
0x2e: {  	s3 =	simm.s32 @!p0 $0x1082;
	s9 =	sld [smem:$0x3FB0]  }
0x2f: {  	lr =	sadd.s32 s0, s3;
	s0 =	sld [smem:$0x3FA7]  }
0x30: {  	s3 =	sld [smem:$0x3FAA]  }
0x31: {  	[smem:$0x3FB3] =	sst s10  }
0x32: {  	s10 =	sld [smem:$0x3FB1];
	_ =	sdelay $0x3  }
0x33: {  	p0 =	seq.s32 s10, $0x1;
	s10 =	sld [smem:$0x3FB3];
	_ =	sdelay $0x3  }
0x34: {  	[smem:$0x3FB3] =	sst s10  }
0x35: {  	s10 =	sld [smem:$0x3FB2];
	_ =	sdelay $0x3  }
0x36: {  	p1 =	seq.s32 s10, $0x1;
	s10 =	sld [smem:$0x3FB3];
	_ =	sdelay $0x3  }
0x37: {  	[smem:$0x3FB3] =	sst s10  }
0x38: {  	s10 =	sld [smem:$0x3FB4]  }
0x39: {  	_ = 	snop;
	(pc) =	sbr.ind lr, $3  }
0x3a: {  	_ = 	snop  }
0x3b: {  	_ = 	snop  }
0x3c: {  	p2 =	seq.s32 s10, $0x1;
	s10 =	sld [smem:$0x3FB3]  }
0x3d: {  	_ =	shalt  }
0x3e: {  	_ =	shalt  }
0x3f: {  	_ =	shalt  }
0x40: {  	_ =	shalt  }
0x41: {  	_ =	shalt  }
0x42: {  	_ =	shalt  }
0x43: {  	_ =	shalt  }
0x44: {  	_ =	shalt  }
0x45: {  	_ =	shalt  }
0x46: {  	_ =	shalt  }
0x47: {  	_ =	shalt  }
0x48: {  	_ =	shalt  }
0x49: {  	_ =	shalt  }
0x4a: {  	_ =	shalt  }
0x4b: {  	_ =	shalt  }
0x4c: {  	_ =	shalt  }
0x4d: {  	_ =	shalt  }
0x4e: {  	_ =	shalt  }
0x4f: {  	_ =	shalt  }
0x50: {  	_ =	shalt  }
0x51: {  	_ =	shalt  }
0x52: {  	_ =	shalt  }
0x53: {  	_ =	shalt  }
0x54: {  	_ =	shalt  }
0x55: {  	_ =	shalt  }
0x56: {  	_ =	shalt  }
0x57: {  	_ =	shalt  }
0x58: {  	_ =	shalt  }
0x59: {  	_ =	shalt  }
0x5a: {  	_ =	shalt  }
0x5b: {  	_ =	shalt  }
0x5c: {  	_ =	shalt  }
0x5d: {  	_ =	shalt  }
0x5e: {  	_ =	shalt  }
0x5f: {  	_ =	shalt  }
0x60: {  	_ =	shalt  }
0x61: {  	_ =	shalt  }
0x62: {  	_ =	shalt  }
0x63: {  	_ =	shalt  }
0x64: {  	_ =	shalt  }
0x65: {  	_ =	shalt  }
0x66: {  	_ =	shalt  }
0x67: {  	_ =	shalt  }
0x68: {  	_ =	shalt  }
0x69: {  	_ =	shalt  }
0x6a: {  	_ =	shalt  }
0x6b: {  	_ =	shalt  }
0x6c: {  	_ =	shalt  }
0x6d: {  	_ =	shalt  }
0x6e: {  	_ =	shalt  }
0x6f: {  	_ =	shalt  }
0x70: {  	_ =	shalt  }
0x71: {  	_ =	shalt  }
0x72: {  	_ =	shalt  }
0x73: {  	_ =	shalt  }
0x74: {  	_ =	shalt  }
0x75: {  	_ =	shalt  }
0x76: {  	_ =	shalt  }
0x77: {  	_ =	shalt  }
0x78: {  	_ =	shalt  }
0x79: {  	_ =	shalt  }
0x7a: {  	_ =	shalt  }
0x7b: {  	_ =	shalt  }
0x7c: {  	_ =	shalt  }
0x7d: {  	_ =	shalt  }
0x7e: {  	_ =	shalt  }
0x7f: {  	_ =	shalt  }
0x80: {  	_ =	shalt  }
0x81: {  	_ =	shalt  }
0x82: {  	_ =	shalt  }
0x83: {  	_ =	shalt  }
0x84: {  	_ =	shalt  }
0x85: {  	_ =	shalt  }
0x86: {  	_ =	shalt  }
0x87: {  	_ =	shalt  }
.Lfunc_end0:
.L_simem_size_0:
called_computation_lowered:
.L_overlay_start_0:
0x88: {  	s2 =	sld [smem:$0x3FD9]  }
0x89: {  	s3 =	sld [smem:$0x3FFE];
	_ =	sdelay $0x1  }
0x8a: {  	s1 =	srdreg.scid  }
0x8b: {  	s0 =	sand.u32 $0x1, s1  }
0x8c: {  	s16 =	sshll.u32 s0, $0xA;
	s2 =	sadd.s32 s3, s2  }
0x8d: {  	s2 =	sadd.s32 s2, s16  }
0x8e: {  	[smem:$0x3FBF] =	sst s2  }
0x8f: {  	_ = 	snop  }
0x90: {  	(tm) =	ssettm $0x1  }
0x91: {  	s17 =	sld [smem:$0x3FFB];
	_ =	sdelay $0x3  }
0x92: {  	_ =	strace s17  }
0x93: {  	s2 =	sld [smem:$0x3FFC];
	_ =	sdelay $0x3  }
0x94: {  	_ =	strace s2  }
0x95: {  	s2 =	sld [smem:$0x3FFD];
	_ =	sdelay $0x3  }
0x96: {  	_ =	strace s2  }
0x97: {  	_ =	strace $0x8FFFFFFF  }
0x98: {  	s18 =	sld [smem:$0x3FDB];
	_ =	sdelay $0x1  }
0x99: {  	s19 =	simm.s32 $_scs_section_size  }
0x9a: {  	s4 =	simm.s32 $_size__tile_overlayer_lowered;
	s5 =	simm.s32 $_tile_overlayer_lowered  }
0x9b: {  	s22 =	simm.s32 $0x1BFF;
	s21 =	sshll.u32 s5, $0x1;
	s2 =	sadd.s32 s19, s18  }
0x9c: {  	s6 =	simm.s32 $0x0;
	s20 =	sshll.u32 s4, $0x1;
	s4 =	sadd.s32 s21, s2  }
0x9d: {  	[timem:s6], [sflag:s22] =	dma.local [hbm:s4], s20  }
0x9e: {  	_ =	swait.ge [sflag:s22], s20  }
0x9f: {  	s3 =	ssub.s32 $0x0, s20;
	[sflag:s22] =	ssyncset.done $0x0  }
0xa0: {  	[sflag:s22] =	ssyncadd.s32 s3;
	_ =	sdelay $0x1  }
0xa1: {  	s23 =	simm.s32 $0x1B8B  }
0xa2: {  	_ =	swait.ge [sflag:s23], $0x1  }
0xa3: {  	[sflag:s23] =	ssyncset.done $0x0  }
0xa4: {  	s25 =	simm.s32 $0x1B8E;
	s24 =	sld [smem:$0x3FFE];
	[sflag:s23] =	ssyncadd.s32 $0xFFFFFFFF  }
0xa5: {  	s26 =	simm.s32 $execute0_lowered;
	[smem:$0x3FD2] =	sst s25  }
0xa6: {  	s4 =	sshll.u32 s26, $0x1;
	_ =	strace $0x80000046;
	[dreg:$0x1] =	wrdreg $0xFFFFFFFF  }
0xa7: {  	s28 =	simm.s32 $_size_execute0_lowered;
	s2 =	sadd.s32 s2, s4;
	[dreg:$0x0] =	wrdreg $0x0  }
0xa8: {  	s4 =	sshll.u32 s28, $0x1;
	[dreg:$0x2] =	wrdreg s2  }
0xa9: {  	[dreg:$0x3] =	wrdreg s4  }
0xaa: {  	[dreg:$0x4] =	wrdreg $0xC0  }
0xab: {  	_ =	task [dreg:s6], $0x5FFFF  }
0xac: {  	[dreg:$0x1] =	wrdreg $0xFFFFFFFF  }
0xad: {  	[dreg:$0x0] =	wrdreg $0x60  }
0xae: {  	[dreg:$0x2] =	wrdreg s24  }
0xaf: {  	[dreg:$0x3] =	wrdreg $0x68000  }
0xb0: {  	[dreg:$0x4] =	wrdreg $0x9  }
0xb1: {  	_ =	task.clear_ibuf [dreg:s6], $0x5FFFF;
	_ =	strace $0x90000046  }
0xb2: {  	s29 =	simm.s32 $0x9;
	_ =	strace $0x80000048  }
0xb3: {  	_ =	swait.ge [sflag:s29], $0x1  }
0xb4: {  	[sflag:s29] =	ssyncadd.s32 $0xFFFFFFFF  }
0xb5: {  	_ =	strace $0x90000048  }
0xb6: {  	_ =	sfence  }
0xb7: {  	s30 =	sld [smem:$0x0];
	_ =	sdelay $0x2  }
0xb8: {  	s31 =	sshll.u32 s1, $0xD;
	s1 =	sshrl.u32 s1, $0x2  }
0xb9: {  	s3 =	sand.u32 $0x4000, s31;
	s1 =	sadd.s32 s1, s30  }
0xba: {  	s0 =	sor.u32 s3, s0;
	s1 =	sshll.u32 s1, $0x11  }
0xbb: {  	s0 =	sor.u32 s1, s0  }
0xbc: {  	s0 =	sadd.s32 $0x8F2B, s0  }
0xbd: {  	[sflag:s0] =	ssyncadd.remote.s32 $0x1  }
0xbe: {  	_ =	sfence.sel $0xFFFF  }
0xbf: {  	[dreg:$0x0] =	wrdreg $0xFFFFFFFF;
	(pc) =	sbr.abs _section_cstart, $3  }
0xc0: {  	[dreg:$0x1] =	wrdreg $0xFFFFFFFF  }
0xc1: {  	_ =	task.clear_ibuf [dreg:s6], $0x2FFFF;
	_ =	strace $0x9FFFFFFF  }
0xc2: {  	(tm) =	ssettm $0x7FFFFFFF  }
0xc3: {  	_ =	shalt  }
tec
execute0_lowered:
.L_overlay_start_1:
0x0: {  	(tag) =	ssettag $0x1  }
0x1: {  	s1 =	srdreg.scid;
	s6 =	rddreg [dreg:$0x0]  }
0x2: {  	s0 =	stileid.u32;
	s2 =	rddreg [dreg:$0x1]  }
0x3: {  	s3 =	simm.s32 $0x0;
	s14 =	simm.s32 $0x80;
	s16 =	simm.s32 $0x0  }
0x4: {  	s5 =	sand.u32 $0x1, s1;
	s26 =	sshll.u32 s0, $0x1;
	s7 =	smul.u32 $0x13C00, s0  }
0x5: {  	[smem:$0x7FF] =	sst s3;
	s29 =	smul.u32 $0x4F000, s0;
	s15 =	sshll.u32 s0, $0x6  }
0x6: {  	s1 =	sor.u32 s5, s26;
	s8 =	smul.u32 $0x13C000, s5;
	s5 =	ssub.s32 $0x2, s5  }
0x7: {  	s4 =	smul.u32 $0x500, s1;
	s1 =	rddreg [dreg:$0x2];
	_ =	strace $0x80000047  }
0x8: {  	s28 =	sshrl.u32 s7, $0x3;
	s30 =	sshrl.u32 s5, $0x1;
	s31 =	sshrl.u32 s29, $0x2  }
0x9: {  	s10 =	sadd.s32 s28, s6;
	s7 =	sadd.s32 s7, s8;
	s12 =	ssub.s32 s5, s30  }
0xa: {  	s13 =	sadd.s32 s31, s2;
	s9 =	sadd.s32 s4, s6;
	s4 =	sadd.s32 $0x34200, s6  }
0xb: {  	s7 =	sshrl.u32 s7, $0x3;
	s5 =	sadd.s32 $0xCA00, s10;
	s10 =	sshrl.u32 s13, $0x3  }
0xc: {  	s13 =	simm.s32 $0x2;
	s11 =	sadd.s32 s7, s6;
	s6 =	sor.u32 $0x1C01, s15  }
0xd: {  	s7 =	sadd.s32 $0x2A00, s9;
	s9 =	smax.u32 s12, $0x1;
	s12 =	simm.s32 $0x2800  }
0xe: {  	s15 =	sor.u32 $0x1C02, s15;
	s8 =	sadd.s32 $0x34A00, s11;
	s11 =	simm.s32 $0x1  }
.LBB2_1:
0xf: {  	[spmem:s10], [sflag:s6] =	dma.local [hbm:s5], $0x2780  }
0x10: {  	_ =	swait.ge [sflag:s11], $0x2780  }
0x11: {  	[sflag:s11] =	ssyncset.done $0x0  }
0x12: {  	[sflag:s11] =	ssyncadd.s32 $0xFFFFD880  }
0x13: {  	[tilespmem:s12], [sflag:$0x2] =	stream.linear.gather [hbm4b:s4+s3], $0x4000, $0x38;
	[tilespmem:$0x8F80] =	vst v63  }
0x14: {  	_ =	swait.ge [sflag:s13], $0x4000  }
0x15: {  	[sflag:s13] =	ssyncset.done $0x0  }
0x16: {  	[sflag:s13] =	ssyncadd.s32 $0xFFFFC000  }
0x17: {  	[tilespmem:s3], [sflag:$0x2] =	stream.linear.gather [hbm4b:s7+s3], $0x2800, $0x38;
	[tilespmem:$0x8F80] =	vst v63  }
0x18: {  	_ =	swait.ge [sflag:s13], $0x2800  }
0x19: {  	[sflag:s13] =	ssyncset.done $0x0  }
0x1a: {  	[sflag:s13] =	ssyncadd.s32 $0xFFFFD800  }
0x1b: {  	[bflag:$0x0] =	sbarrier.arrive $0xFFFF  }
0x1c: {  	_ =	sdelay $0x7ff  }
0x1d: {  	_ =	sdelay $0x7ff  }
0x1e: {  	_ =	sdelay $0x7ff  }
0x1f: {  	_ =	sdelay $0x7ff  }
0x20: {  	_ =	sdelay $0x7ff  }
0x21: {  	_ =	sdelay $0x7ff  }
0x22: {  	_ =	sdelay $0x7ff  }
0x23: {  	_ =	sdelay $0x6b6  }
0x24: {  	s17 =	simm.s32 $0x0;
	[bflag:$0x0] =	sbarrier.arrive $0xFFFF  }
0x25: {  	[spmem:s2] =	stream.indirect.scatter.add.f32 [tilespmem:s12], [sflag:$0x2], $0x10, s17, s14, $0xb8;
	[tilespmem:$0x8F80] =	vst v63  }
0x26: {  	_ =	swait.ge [sflag:s13], $0x800  }
0x27: {  	s17 =	simm.s32 $0x200;
	[sflag:s13] =	ssyncset.done $0x0  }
.LBB2_2:
0x28: {  	s18 =	sshra.s32 s17, $0x2;
	[sflag:s13] =	ssyncadd.s32 $0xFFFFF800;
	p0 =	sne.s32 s17, $0x9E00  }
0x29: {  	[spmem:s2] =	stream.indirect.scatter.add.f32 [tilespmem:s12], [sflag:$0x2], $0x10, s18, s14, $0xb8;
	[tilespmem:$0x8F80] =	vst v63  }
.Ltmp0:
0x2a: {  	_ = 	snop;
	(pc) =	sbr.rel @p0 .LBB2_2-.Ltmp0, $4  }
0x2b: {  	_ = 	snop  }
0x2c: {  	s17 =	sadd.s32 $0x200, s17  }
0x2d: {  	_ =	swait.ge [sflag:s13], $0x800  }
0x2e: {  	[sflag:s13] =	ssyncset.done $0x0  }
0x2f: {  	[sflag:s13] =	ssyncadd.s32 $0xFFFFF800  }
0x30: {  	[bflag:$0x0] =	sbarrier.arrive $0xFFFF  }
0x31: {  	_ =	sdelay $0x7ff  }
0x32: {  	_ =	sdelay $0x7ff  }
0x33: {  	_ =	sdelay $0x7ff  }
0x34: {  	s16 =	sadd.s32 $0x1, s16;
	_ =	sdelay $0x7ff  }
0x35: {  	p0 =	sne.s32 s16, s9;
	_ =	sdelay $0x35b  }
.Ltmp1:
0x36: {  	[bflag:$0x0] =	sbarrier.arrive $0xFFFF;
	(pc) =	sbr.rel @p0 .LBB2_1-.Ltmp1, $4  }
0x37: {  	[hbm:s8], [sflag:s15] =	dma.local [spmem:s10], $0x2780  }
0x38: {  	_ =	swait.ge [sflag:s13], $0x2780  }
0x39: {  	[sflag:s13] =	ssyncset.done $0x0  }
0x3a: {  	[sflag:s13] =	ssyncadd.s32 $0xFFFFD880  }
0x3b: {  	_ =	sfence.sel $0x180000  }
0x3c: {  	[bflag:$0x0] =	sbarrier.arrive $0xFFFF  }
0x3d: {  	p0 =	sne.s32 s0, $0x0;
	_ =	strace $0x90000047  }
0x3e: {  	s0 =	sadd.s32 @!p0 $0x100000, s1;
	[bflag:$0x2] =	sbarrier.arrive $0xFFFF  }
0x3f: {  	[sflag:s0] =	ssyncadd.tile.s32 @!p0 $0x1;
	_ =	shalt  }
.Lfunc_end2:
_tile_overlayer_lowered:
.L_overlay_start_2:
0x40: {  	(tag) =	ssettag $0x2  }
0x41: {  	s0 =	rddreg [dreg:$0x0];
	s2 =	stileid.u32  }
0x42: {  	s1 =	rddreg [dreg:$0x1];
	p0 =	sne.s32 s2, $0x0  }
0x43: {  	s3 =	rddreg [dreg:$0x2];
	[bflag:$0x3] =	sbarrier.arrive $0xFFFF;
	s2 =	simm.s32 @!p0 $0x1C02  }
0x44: {  	[timem:s3], [sflag:s2] =	dma.local @!p0 [hbm:s0], s1  }
0x45: {  	s0 =	simm.s32 @!p0 $0x2  }
0x46: {  	_ =	swait.ge @!p0 [sflag:s0], s1  }
0x47: {  	s1 =	ssub.s32 @!p0 $0x0, s1;
	[sflag:s0] =	ssyncset.done @!p0 $0x0  }
0x48: {  	[sflag:s0] =	ssyncadd.s32 @!p0 s1  }
0x49: {  	[bflag:$0x3] =	sbarrier.arrive $0xFFFF  }
0x4a: {  	_ =	shalt  }

</sc_bundles>
